<compile_context>
chip_gen: v7x
topology: tpu7x:2x2x1
jax: 0.10.2.dev20260603
libtpu: 0.0.44.dev20260713+nightly
codegen_flags: <defaults>
</compile_context>

<pallas_src>
import functools

import jax
import jax.numpy as jnp
from jax import lax
from jax.experimental import pallas as pl
from jax.experimental.pallas import tpu as pltpu
from jax.experimental.pallas import tpu_sc as plsc

L = 16
NC, NS = 2, 16
NW = NC * NS
VP = 2 * L


def _make_kernel(B, SEQ, EMB1, bits):
    rows = B // NW
    chunks = rows // L
    mask = (1 << bits) - 1
    ROW = VP + L

    mesh = plsc.VectorSubcoreMesh(core_axis_name="c", subcore_axis_name="s")

    @functools.partial(
        pl.kernel,
        out_type=jax.ShapeDtypeStruct((B,), jnp.float32),
        mesh=mesh,
        compiler_params=pltpu.CompilerParams(needs_layout_passes=False),
        scratch_types=[
            pltpu.VMEM((rows,), jnp.int32),
            pltpu.VMEM((EMB1 * ROW,), jnp.int32),
            pltpu.VMEM((VP,), jnp.float32),
            pltpu.VMEM((rows,), jnp.float32),
            pltpu.SemaphoreType.DMA,
            pltpu.SemaphoreType.DMA,
        ],
    )
    def sc_kernel(packed_hbm, out_hbm,
                  tok_v, wt_v, lut_v, out_v, tsem, wsem):
        wid = lax.axis_index("s") * NC + lax.axis_index("c")

        tok_cp = pltpu.async_copy(packed_hbm.at[pl.ds(wid * rows, rows)],
                                  tok_v, tsem)
        wt_cp = pltpu.async_copy(packed_hbm.at[pl.ds(B, EMB1 * ROW)],
                                 wt_v, wsem)
        wt_cp.wait()

        def wld(off):
            return plsc.bitcast(wt_v[pl.ds(off, L)], jnp.float32)

        def lut_body(i, acc):
            p0, p1, q0, q1 = acc
            d = i * 2
            w0 = wld(d * ROW + VP)
            w1 = wld(d * ROW + ROW + VP)
            p0 = p0 + wld(d * ROW) * w0
            p1 = p1 + wld(d * ROW + L) * w0
            q0 = q0 + wld(d * ROW + ROW) * w1
            q1 = q1 + wld(d * ROW + ROW + L) * w1
            return (p0, p1, q0, q1)

        z = jnp.zeros((L,), jnp.float32)
        p0, p1, q0, q1 = lax.fori_loop(0, EMB1 // 2, lut_body, (z, z, z, z))
        a0, a1 = p0 + q0, p1 + q1
        if EMB1 % 2:
            d = EMB1 - 1
            w = wld(d * ROW + VP)
            a0 = a0 + wld(d * ROW) * w
            a1 = a1 + wld(d * ROW + L) * w
        inv_seq = jnp.float32(1.0 / SEQ)
        lut_v[pl.ds(0, L)] = a0 * inv_seq
        lut_v[pl.ds(L, L)] = a1 * inv_seq

        tok_cp.wait()

        def row_body(i, carry):
            t4 = [tok_v[pl.ds((i * 4 + k) * L, L)] for k in range(4)]
            g4 = [None] * 4
            for s in range(SEQ):
                for k in range(4):
                    idx = (t4[k] >> (bits * s)) & mask
                    gs = plsc.load_gather(lut_v, [idx])
                    g4[k] = gs if g4[k] is None else g4[k] + gs
            for k in range(4):
                out_v[pl.ds((i * 4 + k) * L, L)] = 1.0 / (1.0 + jnp.exp(-g4[k]))
            return carry

        half = rows // 2
        lax.fori_loop(0, chunks // 8, row_body, jnp.int32(0))
        out_cp = pltpu.async_copy(out_v.at[pl.ds(0, half)],
                                  out_hbm.at[pl.ds(wid * rows, half)], tsem)
        lax.fori_loop(chunks // 8, chunks // 4, row_body, jnp.int32(0))
        pltpu.sync_copy(out_v.at[pl.ds(half, half)],
                        out_hbm.at[pl.ds(wid * rows + half, half)])
        out_cp.wait()

    return sc_kernel


def kernel(tokens, table, W, b):
    B, SEQ = tokens.shape
    VOCAB, EMB = table.shape

    bits = max((VOCAB - 1).bit_length(), 1)
    shifts = jnp.asarray([1 << (bits * s) for s in range(SEQ)], jnp.int32)
    tok_packed = (tokens * shifts).sum(axis=1, dtype=jnp.int32)
    tt = jnp.pad(table.T, ((0, 1), (0, VP - VOCAB)),
                 constant_values=1.0)
    wb = jnp.concatenate([W.reshape(EMB), b]).reshape(EMB + 1, 1)
    wb = jnp.broadcast_to(wb, (EMB + 1, L))
    wt = jnp.concatenate([tt, wb], axis=1).reshape(-1)
    packed = jnp.concatenate([tok_packed,
                              lax.bitcast_convert_type(wt, jnp.int32)])

    out = _make_kernel(B, SEQ, EMB + 1, bits)(packed)
    return out.reshape(B, 1)

# --- scband reference (transcript-rebuilt; emitter-appended) ---
"""Pipeline reference for scband-my-model-87522843558977 (READ-ONLY COPY).

The authoritative reference and input builder live on the scoring server;
editing this copy changes nothing except your own understanding.
"""

import jax, jax.numpy as jnp
import numpy as np

B = 16384
SEQ = 5
VOCAB = 20
EMB = 100

def setup_inputs(seed: int = 0) -> dict:
    key = jax.random.key(seed)
    k1, k2, k3 = jax.random.split(key, 3)
    tokens = jax.random.randint(k1, (B, SEQ), 0, VOCAB, dtype=jnp.int32)
    table = jax.random.normal(k2, (VOCAB, EMB), dtype=jnp.float32) * 0.05
    W = jax.random.normal(k3, (EMB, 1), dtype=jnp.float32) * 0.05
    b = jnp.zeros((1,), dtype=jnp.float32)
    return {"tokens": tokens, "table": table, "W": W, "b": b}

def reference(tokens, table, W, b):
    # TextVectorization is a preprocessing step; inputs here are already
    # integer token ids in [0, VOCAB), matching its output.
    emb = jnp.take(table, tokens, axis=0)          # [B, SEQ, EMB] gather (embedding lookup)
    pooled = jnp.mean(emb, axis=1)                 # GlobalAveragePooling1D over time axis
    logits = pooled @ W + b                        # Dense(1)
    return jax.nn.sigmoid(logits)                  # sigmoid activation -> [B, 1]

if __name__ == "__main__":
    import jax
    _d = setup_inputs()
    print(jax.jit(kernel)(*tuple(_d.values())))

</pallas_src>

<mosaic_0001>
#map = affine_map<(d0, d1) -> (0)>
module attributes {stable_mosaic.version = 14 : i64} {
  func.func @sc_kernel(%arg0: i32, %arg1: i32, %arg2: memref<21232xi32, #tpu.memory_space<hbm>>, %arg3: memref<16384xf32, #tpu.memory_space<hbm>>, %arg4: memref<512xi32, #tpu.memory_space<vmem>>, %arg5: memref<4848xi32, #tpu.memory_space<vmem>>, %arg6: memref<32xf32, #tpu.memory_space<vmem>>, %arg7: memref<512xf32, #tpu.memory_space<vmem>>, %arg8: memref<!tpu.dma_semaphore, #tpu.memory_space<semaphore_mem>>, %arg9: memref<!tpu.dma_semaphore, #tpu.memory_space<semaphore_mem>>) attributes {dimension_semantics = [#tpu.dimension_semantics<core_parallel>, #tpu.dimension_semantics<subcore_parallel>], iteration_bounds = array<i64: 2, 16>, scalar_prefetch = 0 : i64, scratch_operands = 6 : i64, tpu.core_type = #tpu.core_type<sc_vector_subcore>, window_params = [{transform_indices = #map}, {transform_indices = #map}]} {
    %mul3A = arith.constant 2 : i32
    %mul3A_0 = arith.muli %arg1, %mul3A : i32
    %add3A = arith.addi %mul3A_0, %arg0 : i32
    %mul3A_1 = arith.constant 512 : i32
    %mul3A_2 = arith.muli %add3A, %mul3A_1 : i32
    %dma_start3A = tpu.memref_slice %arg2[%mul3A_2] : memref<21232xi32, #tpu.memory_space<hbm>> -> memref<512xi32, #tpu.memory_space<hbm>>
    %dma_start3A_3 = tpu.memref_slice %arg2[%mul3A_2] : memref<21232xi32, #tpu.memory_space<hbm>> -> memref<512xi32, #tpu.memory_space<hbm>>
    tpu.enqueue_dma source(%dma_start3A_3 : memref<512xi32, #tpu.memory_space<hbm>>) target(%arg4 : memref<512xi32, #tpu.memory_space<vmem>>) target_semaphore(%arg8 : memref<!tpu.dma_semaphore, #tpu.memory_space<semaphore_mem>>)
    %dma_start3A_4 = arith.constant 16384 : i32
    %dma_start3A_5 = tpu.memref_slice %arg2[%dma_start3A_4] : memref<21232xi32, #tpu.memory_space<hbm>> -> memref<4848xi32, #tpu.memory_space<hbm>>
    %dma_start3A_6 = arith.constant 16384 : i32
    %dma_start3A_7 = tpu.memref_slice %arg2[%dma_start3A_6] : memref<21232xi32, #tpu.memory_space<hbm>> -> memref<4848xi32, #tpu.memory_space<hbm>>
    tpu.enqueue_dma source(%dma_start3A_7 : memref<4848xi32, #tpu.memory_space<hbm>>) target(%arg5 : memref<4848xi32, #tpu.memory_space<vmem>>) target_semaphore(%arg9 : memref<!tpu.dma_semaphore, #tpu.memory_space<semaphore_mem>>)
    %dma_wait3A = arith.constant 16384 : i32
    %dma_wait3A_8 = tpu.memref_slice %arg2[%dma_wait3A] : memref<21232xi32, #tpu.memory_space<hbm>> -> memref<4848xi32, #tpu.memory_space<hbm>>
    %dma_wait3A_9 = arith.constant 16384 : i32
    %dma_wait3A_10 = tpu.memref_slice %arg2[%dma_wait3A_9] : memref<21232xi32, #tpu.memory_space<hbm>> -> memref<4848xi32, #tpu.memory_space<hbm>>
    tpu.wait_dma2 semaphore(%arg9 : memref<!tpu.dma_semaphore, #tpu.memory_space<semaphore_mem>>) src(%dma_wait3A_10 : memref<4848xi32, #tpu.memory_space<hbm>>) dst(%arg5 : memref<4848xi32, #tpu.memory_space<vmem>>)
    %broadcast_in_dim3A = arith.constant 0.000000e+00 : f32
    %broadcast_in_dim3A_11 = vector.broadcast %broadcast_in_dim3A : f32 to vector<16xf32>
    %scan3A = arith.constant 0 : i32
    %scan3A_12 = arith.constant 50 : i32
    %scan3A_13 = arith.addi %scan3A, %scan3A_12 : i32
    %scan3A_14 = arith.constant 1 : i32
    %scan3A_15:4 = scf.for %scan3A_71 = %scan3A to %scan3A_13 step %scan3A_14 iter_args(%scan3A_72 = %broadcast_in_dim3A_11, %scan3A_73 = %broadcast_in_dim3A_11, %scan3A_74 = %broadcast_in_dim3A_11, %scan3A_75 = %broadcast_in_dim3A_11) -> (vector<16xf32>, vector<16xf32>, vector<16xf32>, vector<16xf32>)  : i32 {
      %mul3A_76 = arith.constant 2 : i32
      %mul3A_77 = arith.muli %scan3A_71, %mul3A_76 : i32
      %mul3A_78 = arith.constant 48 : i32
      %mul3A_79 = arith.muli %mul3A_77, %mul3A_78 : i32
      %add3A_80 = arith.constant 32 : i32
      %add3A_81 = arith.addi %mul3A_79, %add3A_80 : i32
      %get3A_82 = arith.index_cast %add3A_81 : i32 to index
      %get3A_83 = tpu.vector_load %arg5[%get3A_82] {strides = array<i32>} : memref<4848xi32, #tpu.memory_space<vmem>>, vector<16xi32>,
      %bitcast3A_84 = vector.bitcast %get3A_83 : vector<16xi32> to vector<16xf32>
      %mul3A_85 = arith.constant 48 : i32
      %mul3A_86 = arith.muli %mul3A_77, %mul3A_85 : i32
      %add3A_87 = arith.constant 48 : i32
      %add3A_88 = arith.addi %mul3A_86, %add3A_87 : i32
      %add3A_89 = arith.constant 32 : i32
      %add3A_90 = arith.addi %add3A_88, %add3A_89 : i32
      %get3A_91 = arith.index_cast %add3A_90 : i32 to index
      %get3A_92 = tpu.vector_load %arg5[%get3A_91] {strides = array<i32>} : memref<4848xi32, #tpu.memory_space<vmem>>, vector<16xi32>,
      %bitcast3A_93 = vector.bitcast %get3A_92 : vector<16xi32> to vector<16xf32>
      %mul3A_94 = arith.constant 48 : i32
      %mul3A_95 = arith.muli %mul3A_77, %mul3A_94 : i32
      %get3A_96 = arith.index_cast %mul3A_95 : i32 to index
      %get3A_97 = tpu.vector_load %arg5[%get3A_96] {strides = array<i32>} : memref<4848xi32, #tpu.memory_space<vmem>>, vector<16xi32>,
      %bitcast3A_98 = vector.bitcast %get3A_97 : vector<16xi32> to vector<16xf32>
      %mul3A_99 = arith.mulf %bitcast3A_98, %bitcast3A_84 : vector<16xf32>
      %add3A_100 = arith.addf %scan3A_72, %mul3A_99 : vector<16xf32>
      %mul3A_101 = arith.constant 48 : i32
      %mul3A_102 = arith.muli %mul3A_77, %mul3A_101 : i32
      %add3A_103 = arith.constant 16 : i32
      %add3A_104 = arith.addi %mul3A_102, %add3A_103 : i32
      %get3A_105 = arith.index_cast %add3A_104 : i32 to index
      %get3A_106 = tpu.vector_load %arg5[%get3A_105] {strides = array<i32>} : memref<4848xi32, #tpu.memory_space<vmem>>, vector<16xi32>,
      %bitcast3A_107 = vector.bitcast %get3A_106 : vector<16xi32> to vector<16xf32>
      %mul3A_108 = arith.mulf %bitcast3A_107, %bitcast3A_84 : vector<16xf32>
      %add3A_109 = arith.addf %scan3A_73, %mul3A_108 : vector<16xf32>
      %mul3A_110 = arith.constant 48 : i32
      %mul3A_111 = arith.muli %mul3A_77, %mul3A_110 : i32
      %add3A_112 = arith.constant 48 : i32
      %add3A_113 = arith.addi %mul3A_111, %add3A_112 : i32
      %get3A_114 = arith.index_cast %add3A_113 : i32 to index
      %get3A_115 = tpu.vector_load %arg5[%get3A_114] {strides = array<i32>} : memref<4848xi32, #tpu.memory_space<vmem>>, vector<16xi32>,
      %bitcast3A_116 = vector.bitcast %get3A_115 : vector<16xi32> to vector<16xf32>
      %mul3A_117 = arith.mulf %bitcast3A_116, %bitcast3A_93 : vector<16xf32>
      %add3A_118 = arith.addf %scan3A_74, %mul3A_117 : vector<16xf32>
      %mul3A_119 = arith.constant 48 : i32
      %mul3A_120 = arith.muli %mul3A_77, %mul3A_119 : i32
      %add3A_121 = arith.constant 48 : i32
      %add3A_122 = arith.addi %mul3A_120, %add3A_121 : i32
      %add3A_123 = arith.constant 16 : i32
      %add3A_124 = arith.addi %add3A_122, %add3A_123 : i32
      %get3A_125 = arith.index_cast %add3A_124 : i32 to index
      %get3A_126 = tpu.vector_load %arg5[%get3A_125] {strides = array<i32>} : memref<4848xi32, #tpu.memory_space<vmem>>, vector<16xi32>,
      %bitcast3A_127 = vector.bitcast %get3A_126 : vector<16xi32> to vector<16xf32>
      %mul3A_128 = arith.mulf %bitcast3A_127, %bitcast3A_93 : vector<16xf32>
      %add3A_129 = arith.addf %scan3A_75, %mul3A_128 : vector<16xf32>
      scf.yield %add3A_100, %add3A_109, %add3A_118, %add3A_129 : vector<16xf32>, vector<16xf32>, vector<16xf32>, vector<16xf32>
    }
    %scan3A_16 = arith.constant 50 : i32
    %add3A_17 = arith.addf %scan3A_15#0, %scan3A_15#2 : vector<16xf32>
    %add3A_18 = arith.addf %scan3A_15#1, %scan3A_15#3 : vector<16xf32>
    %get3A = arith.constant 4832 : index
    %get3A_19 = tpu.vector_load %arg5[%get3A] {strides = array<i32>} : memref<4848xi32, #tpu.memory_space<vmem>>, vector<16xi32>,
    %bitcast3A = vector.bitcast %get3A_19 : vector<16xi32> to vector<16xf32>
    %get3A_20 = arith.constant 4800 : index
    %get3A_21 = tpu.vector_load %arg5[%get3A_20] {strides = array<i32>} : memref<4848xi32, #tpu.memory_space<vmem>>, vector<16xi32>,
    %bitcast3A_22 = vector.bitcast %get3A_21 : vector<16xi32> to vector<16xf32>
    %mul3A_23 = arith.mulf %bitcast3A_22, %bitcast3A : vector<16xf32>
    %add3A_24 = arith.addf %add3A_17, %mul3A_23 : vector<16xf32>
    %get3A_25 = arith.constant 4816 : index
    %get3A_26 = tpu.vector_load %arg5[%get3A_25] {strides = array<i32>} : memref<4848xi32, #tpu.memory_space<vmem>>, vector<16xi32>,
    %bitcast3A_27 = vector.bitcast %get3A_26 : vector<16xi32> to vector<16xf32>
    %mul3A_28 = arith.mulf %bitcast3A_27, %bitcast3A : vector<16xf32>
    %add3A_29 = arith.addf %add3A_18, %mul3A_28 : vector<16xf32>
    %mul3A_30 = arith.constant 2.000000e-01 : f32
    %mul3A_31 = vector.broadcast %mul3A_30 : f32 to vector<16xf32>
    %mul3A_32 = arith.mulf %add3A_24, %mul3A_31 : vector<16xf32>
    %swap3A = arith.constant 0 : index
    %swap3A_33 = tpu.vector_load %arg6[%swap3A] {strides = array<i32>} : memref<32xf32, #tpu.memory_space<vmem>>, vector<16xf32>,
    tpu.vector_store %arg6[%swap3A], %mul3A_32 {strides = array<i32>} : memref<32xf32, #tpu.memory_space<vmem>>, vector<16xf32>,
    %mul3A_34 = arith.constant 2.000000e-01 : f32
    %mul3A_35 = vector.broadcast %mul3A_34 : f32 to vector<16xf32>
    %mul3A_36 = arith.mulf %add3A_29, %mul3A_35 : vector<16xf32>
    %swap3A_37 = arith.constant 16 : index
    %swap3A_38 = tpu.vector_load %arg6[%swap3A_37] {strides = array<i32>} : memref<32xf32, #tpu.memory_space<vmem>>, vector<16xf32>,
    tpu.vector_store %arg6[%swap3A_37], %mul3A_36 {strides = array<i32>} : memref<32xf32, #tpu.memory_space<vmem>>, vector<16xf32>,
    %dma_wait3A_39 = tpu.memref_slice %arg2[%mul3A_2] : memref<21232xi32, #tpu.memory_space<hbm>> -> memref<512xi32, #tpu.memory_space<hbm>>
    %dma_wait3A_40 = tpu.memref_slice %arg2[%mul3A_2] : memref<21232xi32, #tpu.memory_space<hbm>> -> memref<512xi32, #tpu.memory_space<hbm>>
    tpu.wait_dma2 semaphore(%arg8 : memref<!tpu.dma_semaphore, #tpu.memory_space<semaphore_mem>>) src(%dma_wait3A_40 : memref<512xi32, #tpu.memory_space<hbm>>) dst(%arg4 : memref<512xi32, #tpu.memory_space<vmem>>)
    %scan3A_41 = arith.constant 0 : i32
    %scan3A_42 = arith.constant 0 : i32
    %scan3A_43 = arith.constant 4 : i32
    %scan3A_44 = arith.addi %scan3A_42, %scan3A_43 : i32
    %scan3A_45 = arith.constant 1 : i32
    scf.for %scan3A_71 = %scan3A_42 to %scan3A_44 step %scan3A_45  : i32 {
      %mul3A_72 = arith.constant 4 : i32
      %mul3A_73 = arith.muli %scan3A_71, %mul3A_72 : i32
      %add3A_74 = arith.constant 0 : i32
      %add3A_75 = arith.addi %mul3A_73, %add3A_74 : i32
      %mul3A_76 = arith.constant 16 : i32
      %mul3A_77 = arith.muli %add3A_75, %mul3A_76 : i32
      %get3A_78 = arith.index_cast %mul3A_77 : i32 to index
      %get3A_79 = tpu.vector_load %arg4[%get3A_78] {strides = array<i32>} : memref<512xi32, #tpu.memory_space<vmem>>, vector<16xi32>,
      %mul3A_80 = arith.constant 4 : i32
      %mul3A_81 = arith.muli %scan3A_71, %mul3A_80 : i32
      %add3A_82 = arith.constant 1 : i32
      %add3A_83 = arith.addi %mul3A_81, %add3A_82 : i32
      %mul3A_84 = arith.constant 16 : i32
      %mul3A_85 = arith.muli %add3A_83, %mul3A_84 : i32
      %get3A_86 = arith.index_cast %mul3A_85 : i32 to index
      %get3A_87 = tpu.vector_load %arg4[%get3A_86] {strides = array<i32>} : memref<512xi32, #tpu.memory_space<vmem>>, vector<16xi32>,
      %mul3A_88 = arith.constant 4 : i32
      %mul3A_89 = arith.muli %scan3A_71, %mul3A_88 : i32
      %add3A_90 = arith.constant 2 : i32
      %add3A_91 = arith.addi %mul3A_89, %add3A_90 : i32
      %mul3A_92 = arith.constant 16 : i32
      %mul3A_93 = arith.muli %add3A_91, %mul3A_92 : i32
      %get3A_94 = arith.index_cast %mul3A_93 : i32 to index
      %get3A_95 = tpu.vector_load %arg4[%get3A_94] {strides = array<i32>} : memref<512xi32, #tpu.memory_space<vmem>>, vector<16xi32>,
      %mul3A_96 = arith.constant 4 : i32
      %mul3A_97 = arith.muli %scan3A_71, %mul3A_96 : i32
      %add3A_98 = arith.constant 3 : i32
      %add3A_99 = arith.addi %mul3A_97, %add3A_98 : i32
      %mul3A_100 = arith.constant 16 : i32
      %mul3A_101 = arith.muli %add3A_99, %mul3A_100 : i32
      %get3A_102 = arith.index_cast %mul3A_101 : i32 to index
      %get3A_103 = tpu.vector_load %arg4[%get3A_102] {strides = array<i32>} : memref<512xi32, #tpu.memory_space<vmem>>, vector<16xi32>,
      %shift_right_arithmetic3A = arith.constant 0 : i32
      %shift_right_arithmetic3A_104 = vector.broadcast %shift_right_arithmetic3A : i32 to vector<16xi32>
      %shift_right_arithmetic3A_105 = arith.shrsi %get3A_79, %shift_right_arithmetic3A_104 : vector<16xi32>
      %and3A = arith.constant 31 : i32
      %and3A_106 = vector.broadcast %and3A : i32 to vector<16xi32>
      %and3A_107 = arith.andi %shift_right_arithmetic3A_105, %and3A_106 : vector<16xi32>
      %gather3A = tpu.vector_load_idx %arg6[%and3A_107] : memref<32xf32, #tpu.memory_space<vmem>>[vector<16xi32>], vector<16xf32>,
      %shift_right_arithmetic3A_108 = arith.constant 0 : i32
      %shift_right_arithmetic3A_109 = vector.broadcast %shift_right_arithmetic3A_108 : i32 to vector<16xi32>
      %shift_right_arithmetic3A_110 = arith.shrsi %get3A_87, %shift_right_arithmetic3A_109 : vector<16xi32>
      %and3A_111 = arith.constant 31 : i32
      %and3A_112 = vector.broadcast %and3A_111 : i32 to vector<16xi32>
      %and3A_113 = arith.andi %shift_right_arithmetic3A_110, %and3A_112 : vector<16xi32>
      %gather3A_114 = tpu.vector_load_idx %arg6[%and3A_113] : memref<32xf32, #tpu.memory_space<vmem>>[vector<16xi32>], vector<16xf32>,
      %shift_right_arithmetic3A_115 = arith.constant 0 : i32
      %shift_right_arithmetic3A_116 = vector.broadcast %shift_right_arithmetic3A_115 : i32 to vector<16xi32>
      %shift_right_arithmetic3A_117 = arith.shrsi %get3A_95, %shift_right_arithmetic3A_116 : vector<16xi32>
      %and3A_118 = arith.constant 31 : i32
      %and3A_119 = vector.broadcast %and3A_118 : i32 to vector<16xi32>
      %and3A_120 = arith.andi %shift_right_arithmetic3A_117, %and3A_119 : vector<16xi32>
      %gather3A_121 = tpu.vector_load_idx %arg6[%and3A_120] : memref<32xf32, #tpu.memory_space<vmem>>[vector<16xi32>], vector<16xf32>,
      %shift_right_arithmetic3A_122 = arith.constant 0 : i32
      %shift_right_arithmetic3A_123 = vector.broadcast %shift_right_arithmetic3A_122 : i32 to vector<16xi32>
      %shift_right_arithmetic3A_124 = arith.shrsi %get3A_103, %shift_right_arithmetic3A_123 : vector<16xi32>
      %and3A_125 = arith.constant 31 : i32
      %and3A_126 = vector.broadcast %and3A_125 : i32 to vector<16xi32>
      %and3A_127 = arith.andi %shift_right_arithmetic3A_124, %and3A_126 : vector<16xi32>
      %gather3A_128 = tpu.vector_load_idx %arg6[%and3A_127] : memref<32xf32, #tpu.memory_space<vmem>>[vector<16xi32>], vector<16xf32>,
      %shift_right_arithmetic3A_129 = arith.constant 5 : i32
      %shift_right_arithmetic3A_130 = vector.broadcast %shift_right_arithmetic3A_129 : i32 to vector<16xi32>
      %shift_right_arithmetic3A_131 = arith.shrsi %get3A_79, %shift_right_arithmetic3A_130 : vector<16xi32>
      %and3A_132 = arith.constant 31 : i32
      %and3A_133 = vector.broadcast %and3A_132 : i32 to vector<16xi32>
      %and3A_134 = arith.andi %shift_right_arithmetic3A_131, %and3A_133 : vector<16xi32>
      %gather3A_135 = tpu.vector_load_idx %arg6[%and3A_134] : memref<32xf32, #tpu.memory_space<vmem>>[vector<16xi32>], vector<16xf32>,
      %add3A_136 = arith.addf %gather3A, %gather3A_135 : vector<16xf32>
      %shift_right_arithmetic3A_137 = arith.constant 5 : i32
      %shift_right_arithmetic3A_138 = vector.broadcast %shift_right_arithmetic3A_137 : i32 to vector<16xi32>
      %shift_right_arithmetic3A_139 = arith.shrsi %get3A_87, %shift_right_arithmetic3A_138 : vector<16xi32>
      %and3A_140 = arith.constant 31 : i32
      %and3A_141 = vector.broadcast %and3A_140 : i32 to vector<16xi32>
      %and3A_142 = arith.andi %shift_right_arithmetic3A_139, %and3A_141 : vector<16xi32>
      %gather3A_143 = tpu.vector_load_idx %arg6[%and3A_142] : memref<32xf32, #tpu.memory_space<vmem>>[vector<16xi32>], vector<16xf32>,
      %add3A_144 = arith.addf %gather3A_114, %gather3A_143 : vector<16xf32>
      %shift_right_arithmetic3A_145 = arith.constant 5 : i32
      %shift_right_arithmetic3A_146 = vector.broadcast %shift_right_arithmetic3A_145 : i32 to vector<16xi32>
      %shift_right_arithmetic3A_147 = arith.shrsi %get3A_95, %shift_right_arithmetic3A_146 : vector<16xi32>
      %and3A_148 = arith.constant 31 : i32
      %and3A_149 = vector.broadcast %and3A_148 : i32 to vector<16xi32>
      %and3A_150 = arith.andi %shift_right_arithmetic3A_147, %and3A_149 : vector<16xi32>
      %gather3A_151 = tpu.vector_load_idx %arg6[%and3A_150] : memref<32xf32, #tpu.memory_space<vmem>>[vector<16xi32>], vector<16xf32>,
      %add3A_152 = arith.addf %gather3A_121, %gather3A_151 : vector<16xf32>
      %shift_right_arithmetic3A_153 = arith.constant 5 : i32
      %shift_right_arithmetic3A_154 = vector.broadcast %shift_right_arithmetic3A_153 : i32 to vector<16xi32>
      %shift_right_arithmetic3A_155 = arith.shrsi %get3A_103, %shift_right_arithmetic3A_154 : vector<16xi32>
      %and3A_156 = arith.constant 31 : i32
      %and3A_157 = vector.broadcast %and3A_156 : i32 to vector<16xi32>
      %and3A_158 = arith.andi %shift_right_arithmetic3A_155, %and3A_157 : vector<16xi32>
      %gather3A_159 = tpu.vector_load_idx %arg6[%and3A_158] : memref<32xf32, #tpu.memory_space<vmem>>[vector<16xi32>], vector<16xf32>,
      %add3A_160 = arith.addf %gather3A_128, %gather3A_159 : vector<16xf32>
      %shift_right_arithmetic3A_161 = arith.constant 10 : i32
      %shift_right_arithmetic3A_162 = vector.broadcast %shift_right_arithmetic3A_161 : i32 to vector<16xi32>
      %shift_right_arithmetic3A_163 = arith.shrsi %get3A_79, %shift_right_arithmetic3A_162 : vector<16xi32>
      %and3A_164 = arith.constant 31 : i32
      %and3A_165 = vector.broadcast %and3A_164 : i32 to vector<16xi32>
      %and3A_166 = arith.andi %shift_right_arithmetic3A_163, %and3A_165 : vector<16xi32>
      %gather3A_167 = tpu.vector_load_idx %arg6[%and3A_166] : memref<32xf32, #tpu.memory_space<vmem>>[vector<16xi32>], vector<16xf32>,
      %add3A_168 = arith.addf %add3A_136, %gather3A_167 : vector<16xf32>
      %shift_right_arithmetic3A_169 = arith.constant 10 : i32
      %shift_right_arithmetic3A_170 = vector.broadcast %shift_right_arithmetic3A_169 : i32 to vector<16xi32>
      %shift_right_arithmetic3A_171 = arith.shrsi %get3A_87, %shift_right_arithmetic3A_170 : vector<16xi32>
      %and3A_172 = arith.constant 31 : i32
      %and3A_173 = vector.broadcast %and3A_172 : i32 to vector<16xi32>
      %and3A_174 = arith.andi %shift_right_arithmetic3A_171, %and3A_173 : vector<16xi32>
      %gather3A_175 = tpu.vector_load_idx %arg6[%and3A_174] : memref<32xf32, #tpu.memory_space<vmem>>[vector<16xi32>], vector<16xf32>,
      %add3A_176 = arith.addf %add3A_144, %gather3A_175 : vector<16xf32>
      %shift_right_arithmetic3A_177 = arith.constant 10 : i32
      %shift_right_arithmetic3A_178 = vector.broadcast %shift_right_arithmetic3A_177 : i32 to vector<16xi32>
      %shift_right_arithmetic3A_179 = arith.shrsi %get3A_95, %shift_right_arithmetic3A_178 : vector<16xi32>
      %and3A_180 = arith.constant 31 : i32
      %and3A_181 = vector.broadcast %and3A_180 : i32 to vector<16xi32>
      %and3A_182 = arith.andi %shift_right_arithmetic3A_179, %and3A_181 : vector<16xi32>
      %gather3A_183 = tpu.vector_load_idx %arg6[%and3A_182] : memref<32xf32, #tpu.memory_space<vmem>>[vector<16xi32>], vector<16xf32>,
      %add3A_184 = arith.addf %add3A_152, %gather3A_183 : vector<16xf32>
      %shift_right_arithmetic3A_185 = arith.constant 10 : i32
      %shift_right_arithmetic3A_186 = vector.broadcast %shift_right_arithmetic3A_185 : i32 to vector<16xi32>
      %shift_right_arithmetic3A_187 = arith.shrsi %get3A_103, %shift_right_arithmetic3A_186 : vector<16xi32>
      %and3A_188 = arith.constant 31 : i32
      %and3A_189 = vector.broadcast %and3A_188 : i32 to vector<16xi32>
      %and3A_190 = arith.andi %shift_right_arithmetic3A_187, %and3A_189 : vector<16xi32>
      %gather3A_191 = tpu.vector_load_idx %arg6[%and3A_190] : memref<32xf32, #tpu.memory_space<vmem>>[vector<16xi32>], vector<16xf32>,
      %add3A_192 = arith.addf %add3A_160, %gather3A_191 : vector<16xf32>
      %shift_right_arithmetic3A_193 = arith.constant 15 : i32
      %shift_right_arithmetic3A_194 = vector.broadcast %shift_right_arithmetic3A_193 : i32 to vector<16xi32>
      %shift_right_arithmetic3A_195 = arith.shrsi %get3A_79, %shift_right_arithmetic3A_194 : vector<16xi32>
      %and3A_196 = arith.constant 31 : i32
      %and3A_197 = vector.broadcast %and3A_196 : i32 to vector<16xi32>
      %and3A_198 = arith.andi %shift_right_arithmetic3A_195, %and3A_197 : vector<16xi32>
      %gather3A_199 = tpu.vector_load_idx %arg6[%and3A_198] : memref<32xf32, #tpu.memory_space<vmem>>[vector<16xi32>], vector<16xf32>,
      %add3A_200 = arith.addf %add3A_168, %gather3A_199 : vector<16xf32>
      %shift_right_arithmetic3A_201 = arith.constant 15 : i32
      %shift_right_arithmetic3A_202 = vector.broadcast %shift_right_arithmetic3A_201 : i32 to vector<16xi32>
      %shift_right_arithmetic3A_203 = arith.shrsi %get3A_87, %shift_right_arithmetic3A_202 : vector<16xi32>
      %and3A_204 = arith.constant 31 : i32
      %and3A_205 = vector.broadcast %and3A_204 : i32 to vector<16xi32>
      %and3A_206 = arith.andi %shift_right_arithmetic3A_203, %and3A_205 : vector<16xi32>
      %gather3A_207 = tpu.vector_load_idx %arg6[%and3A_206] : memref<32xf32, #tpu.memory_space<vmem>>[vector<16xi32>], vector<16xf32>,
      %add3A_208 = arith.addf %add3A_176, %gather3A_207 : vector<16xf32>
      %shift_right_arithmetic3A_209 = arith.constant 15 : i32
      %shift_right_arithmetic3A_210 = vector.broadcast %shift_right_arithmetic3A_209 : i32 to vector<16xi32>
      %shift_right_arithmetic3A_211 = arith.shrsi %get3A_95, %shift_right_arithmetic3A_210 : vector<16xi32>
      %and3A_212 = arith.constant 31 : i32
      %and3A_213 = vector.broadcast %and3A_212 : i32 to vector<16xi32>
      %and3A_214 = arith.andi %shift_right_arithmetic3A_211, %and3A_213 : vector<16xi32>
      %gather3A_215 = tpu.vector_load_idx %arg6[%and3A_214] : memref<32xf32, #tpu.memory_space<vmem>>[vector<16xi32>], vector<16xf32>,
      %add3A_216 = arith.addf %add3A_184, %gather3A_215 : vector<16xf32>
      %shift_right_arithmetic3A_217 = arith.constant 15 : i32
      %shift_right_arithmetic3A_218 = vector.broadcast %shift_right_arithmetic3A_217 : i32 to vector<16xi32>
      %shift_right_arithmetic3A_219 = arith.shrsi %get3A_103, %shift_right_arithmetic3A_218 : vector<16xi32>
      %and3A_220 = arith.constant 31 : i32
      %and3A_221 = vector.broadcast %and3A_220 : i32 to vector<16xi32>
      %and3A_222 = arith.andi %shift_right_arithmetic3A_219, %and3A_221 : vector<16xi32>
      %gather3A_223 = tpu.vector_load_idx %arg6[%and3A_222] : memref<32xf32, #tpu.memory_space<vmem>>[vector<16xi32>], vector<16xf32>,
      %add3A_224 = arith.addf %add3A_192, %gather3A_223 : vector<16xf32>
      %shift_right_arithmetic3A_225 = arith.constant 20 : i32
      %shift_right_arithmetic3A_226 = vector.broadcast %shift_right_arithmetic3A_225 : i32 to vector<16xi32>
      %shift_right_arithmetic3A_227 = arith.shrsi %get3A_79, %shift_right_arithmetic3A_226 : vector<16xi32>
      %and3A_228 = arith.constant 31 : i32
      %and3A_229 = vector.broadcast %and3A_228 : i32 to vector<16xi32>
      %and3A_230 = arith.andi %shift_right_arithmetic3A_227, %and3A_229 : vector<16xi32>
      %gather3A_231 = tpu.vector_load_idx %arg6[%and3A_230] : memref<32xf32, #tpu.memory_space<vmem>>[vector<16xi32>], vector<16xf32>,
      %add3A_232 = arith.addf %add3A_200, %gather3A_231 : vector<16xf32>
      %shift_right_arithmetic3A_233 = arith.constant 20 : i32
      %shift_right_arithmetic3A_234 = vector.broadcast %shift_right_arithmetic3A_233 : i32 to vector<16xi32>
      %shift_right_arithmetic3A_235 = arith.shrsi %get3A_87, %shift_right_arithmetic3A_234 : vector<16xi32>
      %and3A_236 = arith.constant 31 : i32
      %and3A_237 = vector.broadcast %and3A_236 : i32 to vector<16xi32>
      %and3A_238 = arith.andi %shift_right_arithmetic3A_235, %and3A_237 : vector<16xi32>
      %gather3A_239 = tpu.vector_load_idx %arg6[%and3A_238] : memref<32xf32, #tpu.memory_space<vmem>>[vector<16xi32>], vector<16xf32>,
      %add3A_240 = arith.addf %add3A_208, %gather3A_239 : vector<16xf32>
      %shift_right_arithmetic3A_241 = arith.constant 20 : i32
      %shift_right_arithmetic3A_242 = vector.broadcast %shift_right_arithmetic3A_241 : i32 to vector<16xi32>
      %shift_right_arithmetic3A_243 = arith.shrsi %get3A_95, %shift_right_arithmetic3A_242 : vector<16xi32>
      %and3A_244 = arith.constant 31 : i32
      %and3A_245 = vector.broadcast %and3A_244 : i32 to vector<16xi32>
      %and3A_246 = arith.andi %shift_right_arithmetic3A_243, %and3A_245 : vector<16xi32>
      %gather3A_247 = tpu.vector_load_idx %arg6[%and3A_246] : memref<32xf32, #tpu.memory_space<vmem>>[vector<16xi32>], vector<16xf32>,
      %add3A_248 = arith.addf %add3A_216, %gather3A_247 : vector<16xf32>
      %shift_right_arithmetic3A_249 = arith.constant 20 : i32
      %shift_right_arithmetic3A_250 = vector.broadcast %shift_right_arithmetic3A_249 : i32 to vector<16xi32>
      %shift_right_arithmetic3A_251 = arith.shrsi %get3A_103, %shift_right_arithmetic3A_250 : vector<16xi32>
      %and3A_252 = arith.constant 31 : i32
      %and3A_253 = vector.broadcast %and3A_252 : i32 to vector<16xi32>
      %and3A_254 = arith.andi %shift_right_arithmetic3A_251, %and3A_253 : vector<16xi32>
      %gather3A_255 = tpu.vector_load_idx %arg6[%and3A_254] : memref<32xf32, #tpu.memory_space<vmem>>[vector<16xi32>], vector<16xf32>,
      %add3A_256 = arith.addf %add3A_224, %gather3A_255 : vector<16xf32>
      %neg3A = arith.constant 0.000000e+00 : f32
      %neg3A_257 = vector.broadcast %neg3A : f32 to vector<16xf32>
      %neg3A_258 = arith.subf %neg3A_257, %add3A_232 : vector<16xf32>
      %exp3A = math.exp %neg3A_258 : vector<16xf32>
      %add3A_259 = arith.constant 1.000000e+00 : f32
      %add3A_260 = vector.broadcast %add3A_259 : f32 to vector<16xf32>
      %add3A_261 = arith.addf %add3A_260, %exp3A : vector<16xf32>
      %div3A = arith.constant 1.000000e+00 : f32
      %div3A_262 = vector.broadcast %div3A : f32 to vector<16xf32>
      %div3A_263 = arith.divf %div3A_262, %add3A_261 : vector<16xf32>
      %mul3A_264 = arith.constant 4 : i32
      %mul3A_265 = arith.muli %scan3A_71, %mul3A_264 : i32
      %add3A_266 = arith.constant 0 : i32
      %add3A_267 = arith.addi %mul3A_265, %add3A_266 : i32
      %mul3A_268 = arith.constant 16 : i32
      %mul3A_269 = arith.muli %add3A_267, %mul3A_268 : i32
      %swap3A_270 = arith.index_cast %mul3A_269 : i32 to index
      %swap3A_271 = tpu.vector_load %arg7[%swap3A_270] {strides = array<i32>} : memref<512xf32, #tpu.memory_space<vmem>>, vector<16xf32>,
      tpu.vector_store %arg7[%swap3A_270], %div3A_263 {strides = array<i32>} : memref<512xf32, #tpu.memory_space<vmem>>, vector<16xf32>,
      %neg3A_272 = arith.constant 0.000000e+00 : f32
      %neg3A_273 = vector.broadcast %neg3A_272 : f32 to vector<16xf32>
      %neg3A_274 = arith.subf %neg3A_273, %add3A_240 : vector<16xf32>
      %exp3A_275 = math.exp %neg3A_274 : vector<16xf32>
      %add3A_276 = arith.constant 1.000000e+00 : f32
      %add3A_277 = vector.broadcast %add3A_276 : f32 to vector<16xf32>
      %add3A_278 = arith.addf %add3A_277, %exp3A_275 : vector<16xf32>
      %div3A_279 = arith.constant 1.000000e+00 : f32
      %div3A_280 = vector.broadcast %div3A_279 : f32 to vector<16xf32>
      %div3A_281 = arith.divf %div3A_280, %add3A_278 : vector<16xf32>
      %mul3A_282 = arith.constant 4 : i32
      %mul3A_283 = arith.muli %scan3A_71, %mul3A_282 : i32
      %add3A_284 = arith.constant 1 : i32
      %add3A_285 = arith.addi %mul3A_283, %add3A_284 : i32
      %mul3A_286 = arith.constant 16 : i32
      %mul3A_287 = arith.muli %add3A_285, %mul3A_286 : i32
      %swap3A_288 = arith.index_cast %mul3A_287 : i32 to index
      %swap3A_289 = tpu.vector_load %arg7[%swap3A_288] {strides = array<i32>} : memref<512xf32, #tpu.memory_space<vmem>>, vector<16xf32>,
      tpu.vector_store %arg7[%swap3A_288], %div3A_281 {strides = array<i32>} : memref<512xf32, #tpu.memory_space<vmem>>, vector<16xf32>,
      %neg3A_290 = arith.constant 0.000000e+00 : f32
      %neg3A_291 = vector.broadcast %neg3A_290 : f32 to vector<16xf32>
      %neg3A_292 = arith.subf %neg3A_291, %add3A_248 : vector<16xf32>
      %exp3A_293 = math.exp %neg3A_292 : vector<16xf32>
      %add3A_294 = arith.constant 1.000000e+00 : f32
      %add3A_295 = vector.broadcast %add3A_294 : f32 to vector<16xf32>
      %add3A_296 = arith.addf %add3A_295, %exp3A_293 : vector<16xf32>
      %div3A_297 = arith.constant 1.000000e+00 : f32
      %div3A_298 = vector.broadcast %div3A_297 : f32 to vector<16xf32>
      %div3A_299 = arith.divf %div3A_298, %add3A_296 : vector<16xf32>
      %mul3A_300 = arith.constant 4 : i32
      %mul3A_301 = arith.muli %scan3A_71, %mul3A_300 : i32
      %add3A_302 = arith.constant 2 : i32
      %add3A_303 = arith.addi %mul3A_301, %add3A_302 : i32
      %mul3A_304 = arith.constant 16 : i32
      %mul3A_305 = arith.muli %add3A_303, %mul3A_304 : i32
      %swap3A_306 = arith.index_cast %mul3A_305 : i32 to index
      %swap3A_307 = tpu.vector_load %arg7[%swap3A_306] {strides = array<i32>} : memref<512xf32, #tpu.memory_space<vmem>>, vector<16xf32>,
      tpu.vector_store %arg7[%swap3A_306], %div3A_299 {strides = array<i32>} : memref<512xf32, #tpu.memory_space<vmem>>, vector<16xf32>,
      %neg3A_308 = arith.constant 0.000000e+00 : f32
      %neg3A_309 = vector.broadcast %neg3A_308 : f32 to vector<16xf32>
      %neg3A_310 = arith.subf %neg3A_309, %add3A_256 : vector<16xf32>
      %exp3A_311 = math.exp %neg3A_310 : vector<16xf32>
      %add3A_312 = arith.constant 1.000000e+00 : f32
      %add3A_313 = vector.broadcast %add3A_312 : f32 to vector<16xf32>
      %add3A_314 = arith.addf %add3A_313, %exp3A_311 : vector<16xf32>
      %div3A_315 = arith.constant 1.000000e+00 : f32
      %div3A_316 = vector.broadcast %div3A_315 : f32 to vector<16xf32>
      %div3A_317 = arith.divf %div3A_316, %add3A_314 : vector<16xf32>
      %mul3A_318 = arith.constant 4 : i32
      %mul3A_319 = arith.muli %scan3A_71, %mul3A_318 : i32
      %add3A_320 = arith.constant 3 : i32
      %add3A_321 = arith.addi %mul3A_319, %add3A_320 : i32
      %mul3A_322 = arith.constant 16 : i32
      %mul3A_323 = arith.muli %add3A_321, %mul3A_322 : i32
      %swap3A_324 = arith.index_cast %mul3A_323 : i32 to index
      %swap3A_325 = tpu.vector_load %arg7[%swap3A_324] {strides = array<i32>} : memref<512xf32, #tpu.memory_space<vmem>>, vector<16xf32>,
      tpu.vector_store %arg7[%swap3A_324], %div3A_317 {strides = array<i32>} : memref<512xf32, #tpu.memory_space<vmem>>, vector<16xf32>,
    }
    %scan3A_46 = arith.constant 4 : i32
    %mul3A_47 = arith.constant 512 : i32
    %mul3A_48 = arith.muli %add3A, %mul3A_47 : i32
    %dma_start3A_49 = arith.constant 0 : i32
    %dma_start3A_50 = tpu.memref_slice %arg7[%dma_start3A_49] : memref<512xf32, #tpu.memory_space<vmem>> -> memref<256xf32, #tpu.memory_space<vmem>>
    %dma_start3A_51 = tpu.memref_slice %arg3[%mul3A_48] : memref<16384xf32, #tpu.memory_space<hbm>> -> memref<256xf32, #tpu.memory_space<hbm>>
    %dma_start3A_52 = tpu.memref_slice %arg3[%mul3A_48] : memref<16384xf32, #tpu.memory_space<hbm>> -> memref<256xf32, #tpu.memory_space<hbm>>
    %dma_start3A_53 = arith.constant 0 : i32
    %dma_start3A_54 = tpu.memref_slice %arg7[%dma_start3A_53] : memref<512xf32, #tpu.memory_space<vmem>> -> memref<256xf32, #tpu.memory_space<vmem>>
    tpu.enqueue_dma source(%dma_start3A_54 : memref<256xf32, #tpu.memory_space<vmem>>) target(%dma_start3A_52 : memref<256xf32, #tpu.memory_space<hbm>>) target_semaphore(%arg8 : memref<!tpu.dma_semaphore, #tpu.memory_space<semaphore_mem>>)
    %scan3A_55 = arith.constant 0 : i32
    %scan3A_56 = arith.constant 4 : i32
    %scan3A_57 = arith.constant 4 : i32
    %scan3A_58 = arith.addi %scan3A_56, %scan3A_57 : i32
    %scan3A_59 = arith.constant 1 : i32
    scf.for %scan3A_71 = %scan3A_56 to %scan3A_58 step %scan3A_59  : i32 {
      %mul3A_72 = arith.constant 4 : i32
      %mul3A_73 = arith.muli %scan3A_71, %mul3A_72 : i32
      %add3A_74 = arith.constant 0 : i32
      %add3A_75 = arith.addi %mul3A_73, %add3A_74 : i32
      %mul3A_76 = arith.constant 16 : i32
      %mul3A_77 = arith.muli %add3A_75, %mul3A_76 : i32
      %get3A_78 = arith.index_cast %mul3A_77 : i32 to index
      %get3A_79 = tpu.vector_load %arg4[%get3A_78] {strides = array<i32>} : memref<512xi32, #tpu.memory_space<vmem>>, vector<16xi32>,
      %mul3A_80 = arith.constant 4 : i32
      %mul3A_81 = arith.muli %scan3A_71, %mul3A_80 : i32
      %add3A_82 = arith.constant 1 : i32
      %add3A_83 = arith.addi %mul3A_81, %add3A_82 : i32
      %mul3A_84 = arith.constant 16 : i32
      %mul3A_85 = arith.muli %add3A_83, %mul3A_84 : i32
      %get3A_86 = arith.index_cast %mul3A_85 : i32 to index
      %get3A_87 = tpu.vector_load %arg4[%get3A_86] {strides = array<i32>} : memref<512xi32, #tpu.memory_space<vmem>>, vector<16xi32>,
      %mul3A_88 = arith.constant 4 : i32
      %mul3A_89 = arith.muli %scan3A_71, %mul3A_88 : i32
      %add3A_90 = arith.constant 2 : i32
      %add3A_91 = arith.addi %mul3A_89, %add3A_90 : i32
      %mul3A_92 = arith.constant 16 : i32
      %mul3A_93 = arith.muli %add3A_91, %mul3A_92 : i32
      %get3A_94 = arith.index_cast %mul3A_93 : i32 to index
      %get3A_95 = tpu.vector_load %arg4[%get3A_94] {strides = array<i32>} : memref<512xi32, #tpu.memory_space<vmem>>, vector<16xi32>,
      %mul3A_96 = arith.constant 4 : i32
      %mul3A_97 = arith.muli %scan3A_71, %mul3A_96 : i32
      %add3A_98 = arith.constant 3 : i32
      %add3A_99 = arith.addi %mul3A_97, %add3A_98 : i32
      %mul3A_100 = arith.constant 16 : i32
      %mul3A_101 = arith.muli %add3A_99, %mul3A_100 : i32
      %get3A_102 = arith.index_cast %mul3A_101 : i32 to index
      %get3A_103 = tpu.vector_load %arg4[%get3A_102] {strides = array<i32>} : memref<512xi32, #tpu.memory_space<vmem>>, vector<16xi32>,
      %shift_right_arithmetic3A = arith.constant 0 : i32
      %shift_right_arithmetic3A_104 = vector.broadcast %shift_right_arithmetic3A : i32 to vector<16xi32>
      %shift_right_arithmetic3A_105 = arith.shrsi %get3A_79, %shift_right_arithmetic3A_104 : vector<16xi32>
      %and3A = arith.constant 31 : i32
      %and3A_106 = vector.broadcast %and3A : i32 to vector<16xi32>
      %and3A_107 = arith.andi %shift_right_arithmetic3A_105, %and3A_106 : vector<16xi32>
      %gather3A = tpu.vector_load_idx %arg6[%and3A_107] : memref<32xf32, #tpu.memory_space<vmem>>[vector<16xi32>], vector<16xf32>,
      %shift_right_arithmetic3A_108 = arith.constant 0 : i32
      %shift_right_arithmetic3A_109 = vector.broadcast %shift_right_arithmetic3A_108 : i32 to vector<16xi32>
      %shift_right_arithmetic3A_110 = arith.shrsi %get3A_87, %shift_right_arithmetic3A_109 : vector<16xi32>
      %and3A_111 = arith.constant 31 : i32
      %and3A_112 = vector.broadcast %and3A_111 : i32 to vector<16xi32>
      %and3A_113 = arith.andi %shift_right_arithmetic3A_110, %and3A_112 : vector<16xi32>
      %gather3A_114 = tpu.vector_load_idx %arg6[%and3A_113] : memref<32xf32, #tpu.memory_space<vmem>>[vector<16xi32>], vector<16xf32>,
      %shift_right_arithmetic3A_115 = arith.constant 0 : i32
      %shift_right_arithmetic3A_116 = vector.broadcast %shift_right_arithmetic3A_115 : i32 to vector<16xi32>
      %shift_right_arithmetic3A_117 = arith.shrsi %get3A_95, %shift_right_arithmetic3A_116 : vector<16xi32>
      %and3A_118 = arith.constant 31 : i32
      %and3A_119 = vector.broadcast %and3A_118 : i32 to vector<16xi32>
      %and3A_120 = arith.andi %shift_right_arithmetic3A_117, %and3A_119 : vector<16xi32>
      %gather3A_121 = tpu.vector_load_idx %arg6[%and3A_120] : memref<32xf32, #tpu.memory_space<vmem>>[vector<16xi32>], vector<16xf32>,
      %shift_right_arithmetic3A_122 = arith.constant 0 : i32
      %shift_right_arithmetic3A_123 = vector.broadcast %shift_right_arithmetic3A_122 : i32 to vector<16xi32>
      %shift_right_arithmetic3A_124 = arith.shrsi %get3A_103, %shift_right_arithmetic3A_123 : vector<16xi32>
      %and3A_125 = arith.constant 31 : i32
      %and3A_126 = vector.broadcast %and3A_125 : i32 to vector<16xi32>
      %and3A_127 = arith.andi %shift_right_arithmetic3A_124, %and3A_126 : vector<16xi32>
      %gather3A_128 = tpu.vector_load_idx %arg6[%and3A_127] : memref<32xf32, #tpu.memory_space<vmem>>[vector<16xi32>], vector<16xf32>,
      %shift_right_arithmetic3A_129 = arith.constant 5 : i32
      %shift_right_arithmetic3A_130 = vector.broadcast %shift_right_arithmetic3A_129 : i32 to vector<16xi32>
      %shift_right_arithmetic3A_131 = arith.shrsi %get3A_79, %shift_right_arithmetic3A_130 : vector<16xi32>
      %and3A_132 = arith.constant 31 : i32
      %and3A_133 = vector.broadcast %and3A_132 : i32 to vector<16xi32>
      %and3A_134 = arith.andi %shift_right_arithmetic3A_131, %and3A_133 : vector<16xi32>
      %gather3A_135 = tpu.vector_load_idx %arg6[%and3A_134] : memref<32xf32, #tpu.memory_space<vmem>>[vector<16xi32>], vector<16xf32>,
      %add3A_136 = arith.addf %gather3A, %gather3A_135 : vector<16xf32>
      %shift_right_arithmetic3A_137 = arith.constant 5 : i32
      %shift_right_arithmetic3A_138 = vector.broadcast %shift_right_arithmetic3A_137 : i32 to vector<16xi32>
      %shift_right_arithmetic3A_139 = arith.shrsi %get3A_87, %shift_right_arithmetic3A_138 : vector<16xi32>
      %and3A_140 = arith.constant 31 : i32
      %and3A_141 = vector.broadcast %and3A_140 : i32 to vector<16xi32>
      %and3A_142 = arith.andi %shift_right_arithmetic3A_139, %and3A_141 : vector<16xi32>
      %gather3A_143 = tpu.vector_load_idx %arg6[%and3A_142] : memref<32xf32, #tpu.memory_space<vmem>>[vector<16xi32>], vector<16xf32>,
      %add3A_144 = arith.addf %gather3A_114, %gather3A_143 : vector<16xf32>
      %shift_right_arithmetic3A_145 = arith.constant 5 : i32
      %shift_right_arithmetic3A_146 = vector.broadcast %shift_right_arithmetic3A_145 : i32 to vector<16xi32>
      %shift_right_arithmetic3A_147 = arith.shrsi %get3A_95, %shift_right_arithmetic3A_146 : vector<16xi32>
      %and3A_148 = arith.constant 31 : i32
      %and3A_149 = vector.broadcast %and3A_148 : i32 to vector<16xi32>
      %and3A_150 = arith.andi %shift_right_arithmetic3A_147, %and3A_149 : vector<16xi32>
      %gather3A_151 = tpu.vector_load_idx %arg6[%and3A_150] : memref<32xf32, #tpu.memory_space<vmem>>[vector<16xi32>], vector<16xf32>,
      %add3A_152 = arith.addf %gather3A_121, %gather3A_151 : vector<16xf32>
      %shift_right_arithmetic3A_153 = arith.constant 5 : i32
      %shift_right_arithmetic3A_154 = vector.broadcast %shift_right_arithmetic3A_153 : i32 to vector<16xi32>
      %shift_right_arithmetic3A_155 = arith.shrsi %get3A_103, %shift_right_arithmetic3A_154 : vector<16xi32>
      %and3A_156 = arith.constant 31 : i32
      %and3A_157 = vector.broadcast %and3A_156 : i32 to vector<16xi32>
      %and3A_158 = arith.andi %shift_right_arithmetic3A_155, %and3A_157 : vector<16xi32>
      %gather3A_159 = tpu.vector_load_idx %arg6[%and3A_158] : memref<32xf32, #tpu.memory_space<vmem>>[vector<16xi32>], vector<16xf32>,
      %add3A_160 = arith.addf %gather3A_128, %gather3A_159 : vector<16xf32>
      %shift_right_arithmetic3A_161 = arith.constant 10 : i32
      %shift_right_arithmetic3A_162 = vector.broadcast %shift_right_arithmetic3A_161 : i32 to vector<16xi32>
      %shift_right_arithmetic3A_163 = arith.shrsi %get3A_79, %shift_right_arithmetic3A_162 : vector<16xi32>
      %and3A_164 = arith.constant 31 : i32
      %and3A_165 = vector.broadcast %and3A_164 : i32 to vector<16xi32>
      %and3A_166 = arith.andi %shift_right_arithmetic3A_163, %and3A_165 : vector<16xi32>
      %gather3A_167 = tpu.vector_load_idx %arg6[%and3A_166] : memref<32xf32, #tpu.memory_space<vmem>>[vector<16xi32>], vector<16xf32>,
      %add3A_168 = arith.addf %add3A_136, %gather3A_167 : vector<16xf32>
      %shift_right_arithmetic3A_169 = arith.constant 10 : i32
      %shift_right_arithmetic3A_170 = vector.broadcast %shift_right_arithmetic3A_169 : i32 to vector<16xi32>
      %shift_right_arithmetic3A_171 = arith.shrsi %get3A_87, %shift_right_arithmetic3A_170 : vector<16xi32>
      %and3A_172 = arith.constant 31 : i32
      %and3A_173 = vector.broadcast %and3A_172 : i32 to vector<16xi32>
      %and3A_174 = arith.andi %shift_right_arithmetic3A_171, %and3A_173 : vector<16xi32>
      %gather3A_175 = tpu.vector_load_idx %arg6[%and3A_174] : memref<32xf32, #tpu.memory_space<vmem>>[vector<16xi32>], vector<16xf32>,
      %add3A_176 = arith.addf %add3A_144, %gather3A_175 : vector<16xf32>
      %shift_right_arithmetic3A_177 = arith.constant 10 : i32
      %shift_right_arithmetic3A_178 = vector.broadcast %shift_right_arithmetic3A_177 : i32 to vector<16xi32>
      %shift_right_arithmetic3A_179 = arith.shrsi %get3A_95, %shift_right_arithmetic3A_178 : vector<16xi32>
      %and3A_180 = arith.constant 31 : i32
      %and3A_181 = vector.broadcast %and3A_180 : i32 to vector<16xi32>
      %and3A_182 = arith.andi %shift_right_arithmetic3A_179, %and3A_181 : vector<16xi32>
      %gather3A_183 = tpu.vector_load_idx %arg6[%and3A_182] : memref<32xf32, #tpu.memory_space<vmem>>[vector<16xi32>], vector<16xf32>,
      %add3A_184 = arith.addf %add3A_152, %gather3A_183 : vector<16xf32>
      %shift_right_arithmetic3A_185 = arith.constant 10 : i32
      %shift_right_arithmetic3A_186 = vector.broadcast %shift_right_arithmetic3A_185 : i32 to vector<16xi32>
      %shift_right_arithmetic3A_187 = arith.shrsi %get3A_103, %shift_right_arithmetic3A_186 : vector<16xi32>
      %and3A_188 = arith.constant 31 : i32
      %and3A_189 = vector.broadcast %and3A_188 : i32 to vector<16xi32>
      %and3A_190 = arith.andi %shift_right_arithmetic3A_187, %and3A_189 : vector<16xi32>
      %gather3A_191 = tpu.vector_load_idx %arg6[%and3A_190] : memref<32xf32, #tpu.memory_space<vmem>>[vector<16xi32>], vector<16xf32>,
      %add3A_192 = arith.addf %add3A_160, %gather3A_191 : vector<16xf32>
      %shift_right_arithmetic3A_193 = arith.constant 15 : i32
      %shift_right_arithmetic3A_194 = vector.broadcast %shift_right_arithmetic3A_193 : i32 to vector<16xi32>
      %shift_right_arithmetic3A_195 = arith.shrsi %get3A_79, %shift_right_arithmetic3A_194 : vector<16xi32>
      %and3A_196 = arith.constant 31 : i32
      %and3A_197 = vector.broadcast %and3A_196 : i32 to vector<16xi32>
      %and3A_198 = arith.andi %shift_right_arithmetic3A_195, %and3A_197 : vector<16xi32>
      %gather3A_199 = tpu.vector_load_idx %arg6[%and3A_198] : memref<32xf32, #tpu.memory_space<vmem>>[vector<16xi32>], vector<16xf32>,
      %add3A_200 = arith.addf %add3A_168, %gather3A_199 : vector<16xf32>
      %shift_right_arithmetic3A_201 = arith.constant 15 : i32
      %shift_right_arithmetic3A_202 = vector.broadcast %shift_right_arithmetic3A_201 : i32 to vector<16xi32>
      %shift_right_arithmetic3A_203 = arith.shrsi %get3A_87, %shift_right_arithmetic3A_202 : vector<16xi32>
      %and3A_204 = arith.constant 31 : i32
      %and3A_205 = vector.broadcast %and3A_204 : i32 to vector<16xi32>
      %and3A_206 = arith.andi %shift_right_arithmetic3A_203, %and3A_205 : vector<16xi32>
      %gather3A_207 = tpu.vector_load_idx %arg6[%and3A_206] : memref<32xf32, #tpu.memory_space<vmem>>[vector<16xi32>], vector<16xf32>,
      %add3A_208 = arith.addf %add3A_176, %gather3A_207 : vector<16xf32>
      %shift_right_arithmetic3A_209 = arith.constant 15 : i32
      %shift_right_arithmetic3A_210 = vector.broadcast %shift_right_arithmetic3A_209 : i32 to vector<16xi32>
      %shift_right_arithmetic3A_211 = arith.shrsi %get3A_95, %shift_right_arithmetic3A_210 : vector<16xi32>
      %and3A_212 = arith.constant 31 : i32
      %and3A_213 = vector.broadcast %and3A_212 : i32 to vector<16xi32>
      %and3A_214 = arith.andi %shift_right_arithmetic3A_211, %and3A_213 : vector<16xi32>
      %gather3A_215 = tpu.vector_load_idx %arg6[%and3A_214] : memref<32xf32, #tpu.memory_space<vmem>>[vector<16xi32>], vector<16xf32>,
      %add3A_216 = arith.addf %add3A_184, %gather3A_215 : vector<16xf32>
      %shift_right_arithmetic3A_217 = arith.constant 15 : i32
      %shift_right_arithmetic3A_218 = vector.broadcast %shift_right_arithmetic3A_217 : i32 to vector<16xi32>
      %shift_right_arithmetic3A_219 = arith.shrsi %get3A_103, %shift_right_arithmetic3A_218 : vector<16xi32>
      %and3A_220 = arith.constant 31 : i32
      %and3A_221 = vector.broadcast %and3A_220 : i32 to vector<16xi32>
      %and3A_222 = arith.andi %shift_right_arithmetic3A_219, %and3A_221 : vector<16xi32>
      %gather3A_223 = tpu.vector_load_idx %arg6[%and3A_222] : memref<32xf32, #tpu.memory_space<vmem>>[vector<16xi32>], vector<16xf32>,
      %add3A_224 = arith.addf %add3A_192, %gather3A_223 : vector<16xf32>
      %shift_right_arithmetic3A_225 = arith.constant 20 : i32
      %shift_right_arithmetic3A_226 = vector.broadcast %shift_right_arithmetic3A_225 : i32 to vector<16xi32>
      %shift_right_arithmetic3A_227 = arith.shrsi %get3A_79, %shift_right_arithmetic3A_226 : vector<16xi32>
      %and3A_228 = arith.constant 31 : i32
      %and3A_229 = vector.broadcast %and3A_228 : i32 to vector<16xi32>
      %and3A_230 = arith.andi %shift_right_arithmetic3A_227, %and3A_229 : vector<16xi32>
      %gather3A_231 = tpu.vector_load_idx %arg6[%and3A_230] : memref<32xf32, #tpu.memory_space<vmem>>[vector<16xi32>], vector<16xf32>,
      %add3A_232 = arith.addf %add3A_200, %gather3A_231 : vector<16xf32>
      %shift_right_arithmetic3A_233 = arith.constant 20 : i32
      %shift_right_arithmetic3A_234 = vector.broadcast %shift_right_arithmetic3A_233 : i32 to vector<16xi32>
      %shift_right_arithmetic3A_235 = arith.shrsi %get3A_87, %shift_right_arithmetic3A_234 : vector<16xi32>
      %and3A_236 = arith.constant 31 : i32
      %and3A_237 = vector.broadcast %and3A_236 : i32 to vector<16xi32>
      %and3A_238 = arith.andi %shift_right_arithmetic3A_235, %and3A_237 : vector<16xi32>
      %gather3A_239 = tpu.vector_load_idx %arg6[%and3A_238] : memref<32xf32, #tpu.memory_space<vmem>>[vector<16xi32>], vector<16xf32>,
      %add3A_240 = arith.addf %add3A_208, %gather3A_239 : vector<16xf32>
      %shift_right_arithmetic3A_241 = arith.constant 20 : i32
      %shift_right_arithmetic3A_242 = vector.broadcast %shift_right_arithmetic3A_241 : i32 to vector<16xi32>
      %shift_right_arithmetic3A_243 = arith.shrsi %get3A_95, %shift_right_arithmetic3A_242 : vector<16xi32>
      %and3A_244 = arith.constant 31 : i32
      %and3A_245 = vector.broadcast %and3A_244 : i32 to vector<16xi32>
      %and3A_246 = arith.andi %shift_right_arithmetic3A_243, %and3A_245 : vector<16xi32>
      %gather3A_247 = tpu.vector_load_idx %arg6[%and3A_246] : memref<32xf32, #tpu.memory_space<vmem>>[vector<16xi32>], vector<16xf32>,
      %add3A_248 = arith.addf %add3A_216, %gather3A_247 : vector<16xf32>
      %shift_right_arithmetic3A_249 = arith.constant 20 : i32
      %shift_right_arithmetic3A_250 = vector.broadcast %shift_right_arithmetic3A_249 : i32 to vector<16xi32>
      %shift_right_arithmetic3A_251 = arith.shrsi %get3A_103, %shift_right_arithmetic3A_250 : vector<16xi32>
      %and3A_252 = arith.constant 31 : i32
      %and3A_253 = vector.broadcast %and3A_252 : i32 to vector<16xi32>
      %and3A_254 = arith.andi %shift_right_arithmetic3A_251, %and3A_253 : vector<16xi32>
      %gather3A_255 = tpu.vector_load_idx %arg6[%and3A_254] : memref<32xf32, #tpu.memory_space<vmem>>[vector<16xi32>], vector<16xf32>,
      %add3A_256 = arith.addf %add3A_224, %gather3A_255 : vector<16xf32>
      %neg3A = arith.constant 0.000000e+00 : f32
      %neg3A_257 = vector.broadcast %neg3A : f32 to vector<16xf32>
      %neg3A_258 = arith.subf %neg3A_257, %add3A_232 : vector<16xf32>
      %exp3A = math.exp %neg3A_258 : vector<16xf32>
      %add3A_259 = arith.constant 1.000000e+00 : f32
      %add3A_260 = vector.broadcast %add3A_259 : f32 to vector<16xf32>
      %add3A_261 = arith.addf %add3A_260, %exp3A : vector<16xf32>
      %div3A = arith.constant 1.000000e+00 : f32
      %div3A_262 = vector.broadcast %div3A : f32 to vector<16xf32>
      %div3A_263 = arith.divf %div3A_262, %add3A_261 : vector<16xf32>
      %mul3A_264 = arith.constant 4 : i32
      %mul3A_265 = arith.muli %scan3A_71, %mul3A_264 : i32
      %add3A_266 = arith.constant 0 : i32
      %add3A_267 = arith.addi %mul3A_265, %add3A_266 : i32
      %mul3A_268 = arith.constant 16 : i32
      %mul3A_269 = arith.muli %add3A_267, %mul3A_268 : i32
      %swap3A_270 = arith.index_cast %mul3A_269 : i32 to index
      %swap3A_271 = tpu.vector_load %arg7[%swap3A_270] {strides = array<i32>} : memref<512xf32, #tpu.memory_space<vmem>>, vector<16xf32>,
      tpu.vector_store %arg7[%swap3A_270], %div3A_263 {strides = array<i32>} : memref<512xf32, #tpu.memory_space<vmem>>, vector<16xf32>,
      %neg3A_272 = arith.constant 0.000000e+00 : f32
      %neg3A_273 = vector.broadcast %neg3A_272 : f32 to vector<16xf32>
      %neg3A_274 = arith.subf %neg3A_273, %add3A_240 : vector<16xf32>
      %exp3A_275 = math.exp %neg3A_274 : vector<16xf32>
      %add3A_276 = arith.constant 1.000000e+00 : f32
      %add3A_277 = vector.broadcast %add3A_276 : f32 to vector<16xf32>
      %add3A_278 = arith.addf %add3A_277, %exp3A_275 : vector<16xf32>
      %div3A_279 = arith.constant 1.000000e+00 : f32
      %div3A_280 = vector.broadcast %div3A_279 : f32 to vector<16xf32>
      %div3A_281 = arith.divf %div3A_280, %add3A_278 : vector<16xf32>
      %mul3A_282 = arith.constant 4 : i32
      %mul3A_283 = arith.muli %scan3A_71, %mul3A_282 : i32
      %add3A_284 = arith.constant 1 : i32
      %add3A_285 = arith.addi %mul3A_283, %add3A_284 : i32
      %mul3A_286 = arith.constant 16 : i32
      %mul3A_287 = arith.muli %add3A_285, %mul3A_286 : i32
      %swap3A_288 = arith.index_cast %mul3A_287 : i32 to index
      %swap3A_289 = tpu.vector_load %arg7[%swap3A_288] {strides = array<i32>} : memref<512xf32, #tpu.memory_space<vmem>>, vector<16xf32>,
      tpu.vector_store %arg7[%swap3A_288], %div3A_281 {strides = array<i32>} : memref<512xf32, #tpu.memory_space<vmem>>, vector<16xf32>,
      %neg3A_290 = arith.constant 0.000000e+00 : f32
      %neg3A_291 = vector.broadcast %neg3A_290 : f32 to vector<16xf32>
      %neg3A_292 = arith.subf %neg3A_291, %add3A_248 : vector<16xf32>
      %exp3A_293 = math.exp %neg3A_292 : vector<16xf32>
      %add3A_294 = arith.constant 1.000000e+00 : f32
      %add3A_295 = vector.broadcast %add3A_294 : f32 to vector<16xf32>
      %add3A_296 = arith.addf %add3A_295, %exp3A_293 : vector<16xf32>
      %div3A_297 = arith.constant 1.000000e+00 : f32
      %div3A_298 = vector.broadcast %div3A_297 : f32 to vector<16xf32>
      %div3A_299 = arith.divf %div3A_298, %add3A_296 : vector<16xf32>
      %mul3A_300 = arith.constant 4 : i32
      %mul3A_301 = arith.muli %scan3A_71, %mul3A_300 : i32
      %add3A_302 = arith.constant 2 : i32
      %add3A_303 = arith.addi %mul3A_301, %add3A_302 : i32
      %mul3A_304 = arith.constant 16 : i32
      %mul3A_305 = arith.muli %add3A_303, %mul3A_304 : i32
      %swap3A_306 = arith.index_cast %mul3A_305 : i32 to index
      %swap3A_307 = tpu.vector_load %arg7[%swap3A_306] {strides = array<i32>} : memref<512xf32, #tpu.memory_space<vmem>>, vector<16xf32>,
      tpu.vector_store %arg7[%swap3A_306], %div3A_299 {strides = array<i32>} : memref<512xf32, #tpu.memory_space<vmem>>, vector<16xf32>,
      %neg3A_308 = arith.constant 0.000000e+00 : f32
      %neg3A_309 = vector.broadcast %neg3A_308 : f32 to vector<16xf32>
      %neg3A_310 = arith.subf %neg3A_309, %add3A_256 : vector<16xf32>
      %exp3A_311 = math.exp %neg3A_310 : vector<16xf32>
      %add3A_312 = arith.constant 1.000000e+00 : f32
      %add3A_313 = vector.broadcast %add3A_312 : f32 to vector<16xf32>
      %add3A_314 = arith.addf %add3A_313, %exp3A_311 : vector<16xf32>
      %div3A_315 = arith.constant 1.000000e+00 : f32
      %div3A_316 = vector.broadcast %div3A_315 : f32 to vector<16xf32>
      %div3A_317 = arith.divf %div3A_316, %add3A_314 : vector<16xf32>
      %mul3A_318 = arith.constant 4 : i32
      %mul3A_319 = arith.muli %scan3A_71, %mul3A_318 : i32
      %add3A_320 = arith.constant 3 : i32
      %add3A_321 = arith.addi %mul3A_319, %add3A_320 : i32
      %mul3A_322 = arith.constant 16 : i32
      %mul3A_323 = arith.muli %add3A_321, %mul3A_322 : i32
      %swap3A_324 = arith.index_cast %mul3A_323 : i32 to index
      %swap3A_325 = tpu.vector_load %arg7[%swap3A_324] {strides = array<i32>} : memref<512xf32, #tpu.memory_space<vmem>>, vector<16xf32>,
      tpu.vector_store %arg7[%swap3A_324], %div3A_317 {strides = array<i32>} : memref<512xf32, #tpu.memory_space<vmem>>, vector<16xf32>,
    }
    %scan3A_60 = arith.constant 4 : i32
    %mul3A_61 = arith.constant 512 : i32
    %mul3A_62 = arith.muli %add3A, %mul3A_61 : i32
    %add3A_63 = arith.constant 256 : i32
    %add3A_64 = arith.addi %mul3A_62, %add3A_63 : i32
    "tpu.region"() ({
      %run_scoped3A = tpu.sem_alloc : memref<!tpu.dma_semaphore, #tpu.memory_space<semaphore_mem>>
      %dma_start3A_71 = arith.constant 256 : i32
      %dma_start3A_72 = tpu.memref_slice %arg7[%dma_start3A_71] : memref<512xf32, #tpu.memory_space<vmem>> -> memref<256xf32, #tpu.memory_space<vmem>>
      %dma_start3A_73 = tpu.memref_slice %arg3[%add3A_64] : memref<16384xf32, #tpu.memory_space<hbm>> -> memref<256xf32, #tpu.memory_space<hbm>>
      %dma_start3A_74 = tpu.memref_slice %arg3[%add3A_64] : memref<16384xf32, #tpu.memory_space<hbm>> -> memref<256xf32, #tpu.memory_space<hbm>>
      %dma_start3A_75 = arith.constant 256 : i32
      %dma_start3A_76 = tpu.memref_slice %arg7[%dma_start3A_75] : memref<512xf32, #tpu.memory_space<vmem>> -> memref<256xf32, #tpu.memory_space<vmem>>
      tpu.enqueue_dma source(%dma_start3A_76 : memref<256xf32, #tpu.memory_space<vmem>>) target(%dma_start3A_74 : memref<256xf32, #tpu.memory_space<hbm>>) target_semaphore(%run_scoped3A : memref<!tpu.dma_semaphore, #tpu.memory_space<semaphore_mem>>)
      %dma_wait3A_77 = arith.constant 256 : i32
      %dma_wait3A_78 = tpu.memref_slice %arg7[%dma_wait3A_77] : memref<512xf32, #tpu.memory_space<vmem>> -> memref<256xf32, #tpu.memory_space<vmem>>
      %dma_wait3A_79 = tpu.memref_slice %arg3[%add3A_64] : memref<16384xf32, #tpu.memory_space<hbm>> -> memref<256xf32, #tpu.memory_space<hbm>>
      %dma_wait3A_80 = tpu.memref_slice %arg3[%add3A_64] : memref<16384xf32, #tpu.memory_space<hbm>> -> memref<256xf32, #tpu.memory_space<hbm>>
      %dma_wait3A_81 = arith.constant 256 : i32
      %dma_wait3A_82 = tpu.memref_slice %arg7[%dma_wait3A_81] : memref<512xf32, #tpu.memory_space<vmem>> -> memref<256xf32, #tpu.memory_space<vmem>>
      tpu.wait_dma2 semaphore(%run_scoped3A : memref<!tpu.dma_semaphore, #tpu.memory_space<semaphore_mem>>) src(%dma_wait3A_82 : memref<256xf32, #tpu.memory_space<vmem>>) dst(%dma_wait3A_80 : memref<256xf32, #tpu.memory_space<hbm>>)
      tpu.yield
    }) : () -> ()
    %dma_wait3A_65 = arith.constant 0 : i32
    %dma_wait3A_66 = tpu.memref_slice %arg7[%dma_wait3A_65] : memref<512xf32, #tpu.memory_space<vmem>> -> memref<256xf32, #tpu.memory_space<vmem>>
    %dma_wait3A_67 = tpu.memref_slice %arg3[%mul3A_48] : memref<16384xf32, #tpu.memory_space<hbm>> -> memref<256xf32, #tpu.memory_space<hbm>>
    %dma_wait3A_68 = tpu.memref_slice %arg3[%mul3A_48] : memref<16384xf32, #tpu.memory_space<hbm>> -> memref<256xf32, #tpu.memory_space<hbm>>
    %dma_wait3A_69 = arith.constant 0 : i32
    %dma_wait3A_70 = tpu.memref_slice %arg7[%dma_wait3A_69] : memref<512xf32, #tpu.memory_space<vmem>> -> memref<256xf32, #tpu.memory_space<vmem>>
    tpu.wait_dma2 semaphore(%arg8 : memref<!tpu.dma_semaphore, #tpu.memory_space<semaphore_mem>>) src(%dma_wait3A_70 : memref<256xf32, #tpu.memory_space<vmem>>) dst(%dma_wait3A_68 : memref<256xf32, #tpu.memory_space<hbm>>)
    return
  }
}

</mosaic_0001>

<sc_bundles>
// kernel: kernel.3.cloned.1.call-start
scs
__scs_entry_jumppad:
0x0: {  	(pc) =	sbr.rel $0x88, $3  }
0x1: {  	(tag) =	ssettag $0x0;
	lr =	simm.s32 $0x1  }
0x2: {  	[smem:$0x3F9D] =	sst lr;
	_ =	strace $0xD0000000  }
0x3: {  	_ = 	snop  }
0x4: {  	_ = 	snop  }
0x5: {  	_ = 	snop  }
0x6: {  	_ = 	snop  }
0x7: {  	_ = 	snop  }
__scs_overlays_trampoline_lowered:
0x8: {  	[smem:$0x3FAC] =	sst s0  }
0x9: {  	[smem:$0x3FAD] =	sst s1  }
0xa: {  	[smem:$0x3FAE] =	sst s2  }
0xb: {  	[smem:$0x3FAF] =	sst s3  }
0xc: {  	[smem:$0x3FB0] =	sst s4  }
0xd: {  	[smem:$0x3FB1] =	sst s5  }
0xe: {  	[smem:$0x3FB2] =	sst s6  }
0xf: {  	[smem:$0x3FB3] =	sst s7  }
0x10: {  	[smem:$0x3FB4] =	sst s8  }
0x11: {  	[smem:$0x3FB5] =	sst s9;
	s0 =	simm.s32 @!p0 $0x0  }
0x12: {  	s1 =	sld [smem:$0x3F9B];
	s0 =	simm.s32 @p0 $0x1  }
0x13: {  	[smem:$0x3FB6] =	sst s0;
	s0 =	simm.s32 @!p1 $0x0  }
0x14: {  	s2 =	sld [smem:$0x3F9A];
	s0 =	simm.s32 @p1 $0x1  }
0x15: {  	[smem:$0x3FB7] =	sst s0;
	s0 =	simm.s32 @!p2 $0x0  }
0x16: {  	s3 =	sld [smem:$0x3FDB];
	s0 =	simm.s32 @p2 $0x1  }
0x17: {  	s4 =	simm.s32 $0x1BF5;
	[smem:$0x3FB9] =	sst s0  }
0x18: {  	s0 =	sld [smem:$0x3F9C];
	_ =	swait.ge [sflag:s4], $0x0  }
0x19: {  	s7 =	sld [smem:$0x3F9D]  }
0x1a: {  	s8 =	sadd.s32 $0xFFFFE003, lr  }
0x1b: {  	s9 =	sadd.s32 $0xFFFFFEF7, lr;
	s5 =	simm.s32 $0xFFFFFFFF;
	p2 =	slt.u32 s8, $0xFFFFF086  }
0x1c: {  	p1 =	slt.u32 s9, $0xF7A;
	s5 =	simm.s32 @!p2 $0x0  }
0x1d: {  	s5 =	simm.s32 @p1 $0x1;
	p0 =	seq.s32 s7, s2  }
0x1e: {  	s7 =	smul.u32 @!p0 $0xF7A, s2;
	p2 =	seq.s32 @!p0 s5, $0x0  }
0x1f: {  	s9 =	smul.u32 $0xF7A, s1;
	s8 =	simm.s32 @!p0 $0x1BF5;
	p2 =	por !p2, p0  }
0x20: {  	[sflag:s8] =	ssyncset.s32 @!p0 $0xFFFFF086;
	s6 =	sadd.s32 @!p0 s3, s7;
	s7 =	simm.s32 @!p0 $0x108  }
0x21: {  	s3 =	sadd.s32 s3, s9;
	s6 =	sadd.s32 @!p0 $0x88, s6;
	s7 =	simm.s32 @p2 $0x1082  }
0x22: {  	[simem:s7], [sflag:s8] =	dma.local @!p0 [hbm:s6], $0xF7A  }
0x23: {  	s9 =	sor.u32 $0xD0000000, s2;
	s6 =	simm.s32 $0x108;
	_ =	swait.ge @!p0 [sflag:s8], $0x0  }
0x24: {  	s3 =	sadd.s32 $0x88, s3;
	s6 =	simm.s32 @!p1 $0x1082;
	[sflag:s4] =	ssyncset.s32 $0xFFFFF086  }
0x25: {  	[simem:s6], [sflag:s4] =	dma.local [hbm:s3], $0xF7A  }
0x26: {  	[smem:$0x3F9D] =	sst s1;
	(tag) =	ssettag s2;
	_ =	strace s9  }
0x27: {  	s1 =	sld [smem:$0x3FAD]  }
0x28: {  	s2 =	sld [smem:$0x3FAE]  }
0x29: {  	s4 =	sld [smem:$0x3FB0]  }
0x2a: {  	p0 =	seq.s32 s5, $0x0;
	s5 =	sld [smem:$0x3FB1]  }
0x2b: {  	s6 =	sld [smem:$0x3FB2]  }
0x2c: {  	s7 =	sld [smem:$0x3FB3]  }
0x2d: {  	s3 =	simm.s32 $0x108;
	s8 =	sld [smem:$0x3FB4]  }
0x2e: {  	s3 =	simm.s32 @!p0 $0x1082;
	s9 =	sld [smem:$0x3FB5]  }
0x2f: {  	lr =	sadd.s32 s0, s3;
	s0 =	sld [smem:$0x3FAC]  }
0x30: {  	s3 =	sld [smem:$0x3FAF]  }
0x31: {  	[smem:$0x3FB8] =	sst s10  }
0x32: {  	s10 =	sld [smem:$0x3FB6];
	_ =	sdelay $0x3  }
0x33: {  	p0 =	seq.s32 s10, $0x1;
	s10 =	sld [smem:$0x3FB8];
	_ =	sdelay $0x3  }
0x34: {  	[smem:$0x3FB8] =	sst s10  }
0x35: {  	s10 =	sld [smem:$0x3FB7];
	_ =	sdelay $0x3  }
0x36: {  	p1 =	seq.s32 s10, $0x1;
	s10 =	sld [smem:$0x3FB8];
	_ =	sdelay $0x3  }
0x37: {  	[smem:$0x3FB8] =	sst s10  }
0x38: {  	s10 =	sld [smem:$0x3FB9]  }
0x39: {  	_ = 	snop;
	(pc) =	sbr.ind lr, $3  }
0x3a: {  	_ = 	snop  }
0x3b: {  	_ = 	snop  }
0x3c: {  	p2 =	seq.s32 s10, $0x1;
	s10 =	sld [smem:$0x3FB8]  }
0x3d: {  	_ =	shalt  }
0x3e: {  	_ =	shalt  }
0x3f: {  	_ =	shalt  }
0x40: {  	_ =	shalt  }
0x41: {  	_ =	shalt  }
0x42: {  	_ =	shalt  }
0x43: {  	_ =	shalt  }
0x44: {  	_ =	shalt  }
0x45: {  	_ =	shalt  }
0x46: {  	_ =	shalt  }
0x47: {  	_ =	shalt  }
0x48: {  	_ =	shalt  }
0x49: {  	_ =	shalt  }
0x4a: {  	_ =	shalt  }
0x4b: {  	_ =	shalt  }
0x4c: {  	_ =	shalt  }
0x4d: {  	_ =	shalt  }
0x4e: {  	_ =	shalt  }
0x4f: {  	_ =	shalt  }
0x50: {  	_ =	shalt  }
0x51: {  	_ =	shalt  }
0x52: {  	_ =	shalt  }
0x53: {  	_ =	shalt  }
0x54: {  	_ =	shalt  }
0x55: {  	_ =	shalt  }
0x56: {  	_ =	shalt  }
0x57: {  	_ =	shalt  }
0x58: {  	_ =	shalt  }
0x59: {  	_ =	shalt  }
0x5a: {  	_ =	shalt  }
0x5b: {  	_ =	shalt  }
0x5c: {  	_ =	shalt  }
0x5d: {  	_ =	shalt  }
0x5e: {  	_ =	shalt  }
0x5f: {  	_ =	shalt  }
0x60: {  	_ =	shalt  }
0x61: {  	_ =	shalt  }
0x62: {  	_ =	shalt  }
0x63: {  	_ =	shalt  }
0x64: {  	_ =	shalt  }
0x65: {  	_ =	shalt  }
0x66: {  	_ =	shalt  }
0x67: {  	_ =	shalt  }
0x68: {  	_ =	shalt  }
0x69: {  	_ =	shalt  }
0x6a: {  	_ =	shalt  }
0x6b: {  	_ =	shalt  }
0x6c: {  	_ =	shalt  }
0x6d: {  	_ =	shalt  }
0x6e: {  	_ =	shalt  }
0x6f: {  	_ =	shalt  }
0x70: {  	_ =	shalt  }
0x71: {  	_ =	shalt  }
0x72: {  	_ =	shalt  }
0x73: {  	_ =	shalt  }
0x74: {  	_ =	shalt  }
0x75: {  	_ =	shalt  }
0x76: {  	_ =	shalt  }
0x77: {  	_ =	shalt  }
0x78: {  	_ =	shalt  }
0x79: {  	_ =	shalt  }
0x7a: {  	_ =	shalt  }
0x7b: {  	_ =	shalt  }
0x7c: {  	_ =	shalt  }
0x7d: {  	_ =	shalt  }
0x7e: {  	_ =	shalt  }
0x7f: {  	_ =	shalt  }
0x80: {  	_ =	shalt  }
0x81: {  	_ =	shalt  }
0x82: {  	_ =	shalt  }
0x83: {  	_ =	shalt  }
0x84: {  	_ =	shalt  }
0x85: {  	_ =	shalt  }
0x86: {  	_ =	shalt  }
0x87: {  	_ =	shalt  }
.Lfunc_end0:
.L_simem_size_0:
called_computation_lowered:
.L_overlay_start_0:
0x88: {  	s2 =	sld [smem:$0x3FD9]  }
0x89: {  	s3 =	sld [smem:$0x3FFE];
	_ =	sdelay $0x1  }
0x8a: {  	s1 =	srdreg.scid  }
0x8b: {  	s0 =	sand.u32 $0x1, s1  }
0x8c: {  	s17 =	sshll.u32 s0, $0xA;
	s2 =	sadd.s32 s3, s2  }
0x8d: {  	s2 =	sadd.s32 s2, s17  }
0x8e: {  	[smem:$0x3FC4] =	sst s2  }
0x8f: {  	_ = 	snop  }
0x90: {  	s2 =	sld [smem:$0x3FD0];
	(tm) =	ssettm $0x1  }
0x91: {  	s18 =	sld [smem:$0x3FFB];
	_ =	sdelay $0x3  }
0x92: {  	_ =	strace s18  }
0x93: {  	s3 =	sld [smem:$0x3FFC];
	_ =	sdelay $0x3  }
0x94: {  	_ =	strace s3  }
0x95: {  	s3 =	sld [smem:$0x3FFD];
	_ =	sdelay $0x3  }
0x96: {  	_ =	strace s3  }
0x97: {  	_ =	strace $0x8FFFFFFF  }
0x98: {  	s19 =	sld [smem:$0x3FDB];
	_ =	sdelay $0x1  }
0x99: {  	s4 =	simm.s32 $_scs_section_size  }
0x9a: {  	s5 =	simm.s32 $_size__tile_overlayer_lowered;
	s6 =	simm.s32 $_tile_overlayer_lowered  }
0x9b: {  	s22 =	simm.s32 $0x1BFF;
	s21 =	sshll.u32 s6, $0x1;
	s3 =	sadd.s32 s4, s19  }
0x9c: {  	s7 =	simm.s32 $0x0;
	s20 =	sshll.u32 s5, $0x1;
	s5 =	sadd.s32 s21, s3  }
0x9d: {  	[timem:s7], [sflag:s22] =	dma.local [hbm:s5], s20  }
0x9e: {  	_ =	swait.ge [sflag:s22], s20  }
0x9f: {  	s4 =	ssub.s32 $0x0, s20;
	[sflag:s22] =	ssyncset.done $0x0  }
0xa0: {  	[sflag:s22] =	ssyncadd.s32 s4;
	_ =	sdelay $0x1  }
0xa1: {  	s23 =	simm.s32 $0x1B8B  }
0xa2: {  	_ =	swait.ge [sflag:s23], $0x1  }
0xa3: {  	[sflag:s23] =	ssyncset.done $0x0  }
0xa4: {  	s25 =	simm.s32 $0x1B8E;
	s24 =	sld [smem:$0x3FFE];
	[sflag:s23] =	ssyncadd.s32 $0xFFFFFFFF  }
0xa5: {  	s26 =	simm.s32 $execute0_lowered;
	[smem:$0x3FD2] =	sst s25  }
0xa6: {  	s5 =	sshll.u32 s26, $0x1;
	_ =	strace $0x80000046;
	[dreg:$0x1] =	wrdreg $0xFFFFFFFF  }
0xa7: {  	s28 =	simm.s32 $_size_execute0_lowered;
	s3 =	sadd.s32 s3, s5;
	[dreg:$0x0] =	wrdreg $0x0  }
0xa8: {  	s5 =	sshll.u32 s28, $0x1;
	[dreg:$0x2] =	wrdreg s3  }
0xa9: {  	[dreg:$0x3] =	wrdreg s5  }
0xaa: {  	[dreg:$0x4] =	wrdreg $0xC0  }
0xab: {  	_ =	task [dreg:s7], $0x5FFFF  }
0xac: {  	[dreg:$0x1] =	wrdreg $0xFFFFFFFF  }
0xad: {  	[dreg:$0x0] =	wrdreg $0x60  }
0xae: {  	[dreg:$0x2] =	wrdreg s24  }
0xaf: {  	[dreg:$0x3] =	wrdreg s2  }
0xb0: {  	[dreg:$0x4] =	wrdreg $0x9  }
0xb1: {  	_ =	task.clear_ibuf [dreg:s7], $0x5FFFF;
	_ =	strace $0x90000046  }
0xb2: {  	s29 =	simm.s32 $0x9;
	_ =	strace $0x80000048  }
0xb3: {  	_ =	swait.ge [sflag:s29], $0x1  }
0xb4: {  	[sflag:s29] =	ssyncadd.s32 $0xFFFFFFFF  }
0xb5: {  	_ =	strace $0x90000048  }
0xb6: {  	_ =	sfence  }
0xb7: {  	s30 =	sld [smem:$0x0];
	_ =	sdelay $0x2  }
0xb8: {  	s31 =	sshll.u32 s1, $0xD;
	s1 =	sshrl.u32 s1, $0x2  }
0xb9: {  	s3 =	sand.u32 $0x4000, s31;
	s1 =	sadd.s32 s1, s30  }
0xba: {  	s0 =	sor.u32 s3, s0;
	s1 =	sshll.u32 s1, $0x11  }
0xbb: {  	s0 =	sor.u32 s1, s0  }
0xbc: {  	s0 =	sadd.s32 $0x8F2B, s0  }
0xbd: {  	[sflag:s0] =	ssyncadd.remote.s32 $0x1  }
0xbe: {  	_ =	sfence.sel $0xFFFF  }
0xbf: {  	[dreg:$0x0] =	wrdreg $0xFFFFFFFF;
	(pc) =	sbr.abs _section_cstart, $3  }
0xc0: {  	[dreg:$0x1] =	wrdreg $0xFFFFFFFF  }
0xc1: {  	_ =	task.clear_ibuf [dreg:s7], $0x2FFFF;
	_ =	strace $0x9FFFFFFF  }
0xc2: {  	(tm) =	ssettm $0x7FFFFFFF  }
0xc3: {  	_ =	shalt  }
tec
execute0_lowered:
.L_overlay_start_1:
0x0: {  	(tag) =	ssettag $0x1  }
0x1: {  	s5 =	rddreg [dreg:$0x0]  }
0x2: {  	s3 =	rddreg [dreg:$0x1]  }
0x3: {  	s0 =	rddreg [dreg:$0x2];
	s2 =	simm.s32 $0x0;
	s4 =	srdreg.scid  }
0x4: {  	s1 =	stileid.u32;
	s9 =	simm.s32 $0x2;
	s10 =	simm.s32 $0x1  }
0x5: {  	s11 =	simm.s32 $0x1500;
	s12 =	simm.s32 $0x1580;
	s13 =	simm.s32 $0x1680  }
0x6: {  	s14 =	simm.s32 $0x3;
	s15 =	simm.s32 $0x0;
	s4 =	sand.u32 $0x1, s4  }
0x7: {  	s6 =	sshll.u32 s1, $0x7;
	s7 =	sshll.u32 s4, $0x6;
	s4 =	ssub.s32 $0x2, s4  }
0x8: {  	[smem:$0x7FF] =	sst s2;
	s6 =	sor.u32 s7, s6;
	s31 =	sshrl.u32 s4, $0x1  }
0x9: {  	_ =	strace $0x80000047;
	s8 =	sadd.s32 s6, s5;
	s7 =	ssub.s32 s4, s31  }
0xa: {  	s3 =	sadd.s32 s3, s6;
	s5 =	sadd.s32 $0xC00, s5;
	s4 =	sadd.s32 $0x400, s8  }
0xb: {  	s6 =	sadd.s32 $0x20, s3;
	s7 =	smax.u32 s7, $0x1;
	s8 =	simm.s32 $0x200  }
.LBB2_1:
0xc: {  	[tilespmem:s2], [sflag:$0x1] =	stream.linear.gather [hbm4b:s4+s2], $0x200, $0x38;
	[tilespmem:$0x1780] =	vst v63  }
0xd: {  	_ = 	snop  }
0xe: {  	[tilespmem:s8], [sflag:$0x2] =	stream.linear.gather [hbm4b:s5+s2], $0x12F0, $0x38;
	[tilespmem:$0x1780] =	vst v63  }
0xf: {  	_ =	swait.ge [sflag:s9], $0x12F0  }
0x10: {  	[sflag:s9] =	ssyncset.done $0x0  }
0x11: {  	s17 =	simm.s32 $0x50;
	[sflag:s9] =	ssyncadd.s32 $0xFFFFED10  }
0x12: {  	v8 =	vld [tilespmem:s17+$0x200]  }
0x13: {  	v1 =	vld [tilespmem:s17+$0x1F0]  }
0x14: {  	v5 =	vld [tilespmem:s17+$0x1D0]  }
0x15: {  	v6 =	vld [tilespmem:s17+$0x1B0]  }
0x16: {  	v9 =	vld [tilespmem:s17+$0x1C0]  }
0x17: {  	v10 =	vld [tilespmem:s17+$0x1E0]  }
0x18: {  	s16 =	simm.s32 $0xB0  }
0x19: {  	v0 =	vld [tilespmem:s16+$0x200]  }
0x1a: {  	v3 =	vld [tilespmem:s16+$0x1F0]  }
0x1b: {  	v4 =	vld [tilespmem:s16+$0x1D0];
	v1 =	vmul.f32 v1, v8;
	v11 =	vmul.f32 v6, v5  }
0x1c: {  	v2 =	vimm.f32 $0.0e+00;
	v7 =	vld [tilespmem:s16+$0x1B0];
	v9 =	vmul.f32 v9, v5;
	v10 =	vmul.f32 v10, v8  }
0x1d: {  	s17 =	simm.s32 $0x440;
	v6 =	vld [tilespmem:s16+$0x1C0];
	v8 =	vimm.f32 $0.0e+00;
	v1 =	vadd.f32 v1, v2;
	v5 =	vadd.f32 v11, v2  }
.LBB2_2:
0x1e: {  	v11 =	vld [tilespmem:s16+$0x1E0];
	s16 =	sshra.s32 s17, $0x2;
	v2 =	vadd.f32 v9, v2;
	v12 =	vmov v0;
	p0 =	sne.s32 s17, $0x4AC0  }
.Ltmp0:
0x1f: {  	s17 =	sadd.s32 $0x180, s17;
	v0 =	vld [tilespmem:s16+$0x200];
	v9 =	vmul.f32 v3, v12;
	v8 =	vadd.f32 v10, v8;
	(pc) =	sbr.rel @p0 .LBB2_2-.Ltmp0, $4  }
0x20: {  	v3 =	vld [tilespmem:s16+$0x1F0];
	v10 =	vmov v4  }
0x21: {  	v4 =	vld [tilespmem:s16+$0x1D0];
	v13 =	vmul.f32 v7, v10;
	v1 =	vadd.f32 v9, v1  }
0x22: {  	v7 =	vld [tilespmem:s16+$0x1B0];
	v9 =	vmul.f32 v6, v10  }
0x23: {  	v6 =	vld [tilespmem:s16+$0x1C0];
	v5 =	vadd.f32 v13, v5;
	v10 =	vmul.f32 v11, v12  }
0x24: {  	v11 =	vld [tilespmem:s16+$0x1E0];
	_ =	sdelay $0x2  }
0x25: {  	v12 =	vld [tilespmem:$0x14E0]  }
0x26: {  	v13 =	vld [tilespmem:$0x14C0]  }
0x27: {  	v44 =	vld [tilespmem:$0x14D0];
	v8 =	vadd.f32 v10, v8;
	v7 =	vmul.f32 v7, v4;
	v43 =	vmul.f32 v11, v0  }
0x28: {  	v2 =	vadd.f32 v9, v2;
	v0 =	vmul.f32 v3, v0;
	v3 =	vmul.f32 v6, v4  }
0x29: {  	v45 =	vadd.f32 v7, v5;
	v46 =	vadd.f32 v43, v8  }
0x2a: {  	v0 =	vadd.f32 v0, v1;
	v1 =	vadd.f32 v3, v2  }
0x2b: {  	v3 =	vmul.f32 v13, v12;
	v2 =	vadd.f32 v46, v45  }
0x2c: {  	v0 =	vadd.f32 v0, v1;
	v1 =	vmul.f32 v44, v12  }
0x2d: {  	v2 =	vadd.f32 v3, v2  }
0x2e: {  	v0 =	vadd.f32 v1, v0  }
0x2f: {  	v1 =	vmul.f32 $2.000000030e-01, v2  }
0x30: {  	v0 =	vmul.f32 $2.000000030e-01, v0  }
0x31: {  	[tilespmem:$0x1500] =	vst v1  }
0x32: {  	[tilespmem:$0x1510] =	vst v0  }
0x33: {  	_ =	swait.ge [sflag:s10], $0x200  }
0x34: {  	[sflag:s10] =	ssyncset.done $0x0  }
0x35: {  	s16 =	simm.s32 $0x0;
	[sflag:s10] =	ssyncadd.s32 $0xFFFFFE00  }
0x36: {  	v0 =	vld [tilespmem:s16+$0x30]  }
0x37: {  	v1 =	vld [tilespmem:s16+$0x20]  }
0x38: {  	v2 =	vld [tilespmem:s16+$0x0]  }
0x39: {  	v48 =	vld [tilespmem:s16+$0x10];
	_ =	sdelay $0x1  }
0x3a: {  	v50 =	vand.u32 $0x1F, v0  }
0x3b: {  	v51 =	vand.u32 $0x1F, v1  }
0x3c: {  	v56 =	vand.u32 $0x1F, v2  }
0x3d: {  	v3 =	vshrl.u32 v0, $0x5;
	v15 =	vand.u32 $0x1F, v48  }
0x3e: {  	v47 =	vshrl.u32 v1, $0x5;
	v3 =	vand.u32 $0x1F, v3  }
0x3f: {  	v49 =	vshrl.u32 v1, $0xA;
	v4 =	vand.u32 $0x1F, v47;
	v7 =	vld.idx.msk [tilespmem:v50+s11+$0x0], $0xffff  }
0x40: {  	v52 =	vshrl.u32 v2, $0x5;
	v6 =	vand.u32 $0x1F, v49;
	v8 =	vld.idx.msk [tilespmem:v51+s11+$0x0], $0xffff  }
0x41: {  	v53 =	vshrl.u32 v2, $0xA;
	v9 =	vand.u32 $0x1F, v52;
	v13 =	vld.idx.msk [tilespmem:v56+s11+$0x0], $0xffff  }
0x42: {  	v54 =	vshrl.u32 v48, $0xA;
	v10 =	vand.u32 $0x1F, v53;
	v59 =	vld.idx.msk [tilespmem:v15+s11+$0x0], $0xffff  }
0x43: {  	v55 =	vshrl.u32 v1, $0xF;
	v11 =	vand.u32 $0x1F, v54;
	v3 =	vld.idx.msk [tilespmem:v3+s11+$0x0], $0xffff  }
0x44: {  	v1 =	vshrl.u32 v1, $0x14;
	v12 =	vand.u32 $0x1F, v55;
	v4 =	vld.idx.msk [tilespmem:v4+s11+$0x0], $0xffff  }
0x45: {  	v14 =	vshrl.u32 v0, $0xA;
	v1 =	vand.u32 $0x1F, v1;
	v6 =	vld.idx.msk [tilespmem:v6+s11+$0x0], $0xffff  }
0x46: {  	v16 =	vshrl.u32 v48, $0x5;
	v14 =	vand.u32 $0x1F, v14;
	v9 =	vld.idx.msk [tilespmem:v9+s11+$0x0], $0xffff  }
0x47: {  	v17 =	vshrl.u32 v0, $0xF;
	v16 =	vand.u32 $0x1F, v16;
	v10 =	vld.idx.msk [tilespmem:v10+s11+$0x0], $0xffff  }
0x48: {  	v18 =	vshrl.u32 v2, $0xF;
	v58 =	vshrl.u32 v48, $0xF;
	v17 =	vand.u32 $0x1F, v17;
	v11 =	vld.idx.msk [tilespmem:v11+s11+$0x0], $0xffff  }
0x49: {  	v57 =	vand.u32 $0x1F, v18;
	v18 =	vand.u32 $0x1F, v58;
	v12 =	vld.idx.msk [tilespmem:v12+s11+$0x0], $0xffff  }
0x4a: {  	v0 =	vshrl.u32 v0, $0x14;
	v1 =	vld.idx.msk [tilespmem:v1+s11+$0x0], $0xffff;
	v4 =	vadd.f32 v4, v8  }
0x4b: {  	v2 =	vshrl.u32 v2, $0x14;
	v0 =	vand.u32 $0x1F, v0;
	v14 =	vld.idx.msk [tilespmem:v14+s11+$0x0], $0xffff  }
0x4c: {  	v2 =	vand.u32 $0x1F, v2;
	v60 =	vld.idx.msk [tilespmem:v16+s11+$0x0], $0xffff;
	v4 =	vadd.f32 v6, v4  }
0x4d: {  	v5 =	vshrl.u32 v48, $0x14;
	v61 =	vld.idx.msk [tilespmem:v17+s11+$0x0], $0xffff  }
0x4e: {  	v5 =	vand.u32 $0x1F, v5;
	v62 =	vld.idx.msk [tilespmem:v18+s11+$0x0], $0xffff;
	v4 =	vadd.f32 v12, v4  }
0x4f: {  	v8 =	vld.idx.msk [tilespmem:v57+s11+$0x0], $0xffff;
	v3 =	vadd.f32 v3, v7  }
0x50: {  	v0 =	vld.idx.msk [tilespmem:v0+s11+$0x0], $0xffff;
	v63 =	vadd.f32 v9, v13;
	v1 =	vadd.f32 v1, v4  }
0x51: {  	v2 =	vld.idx.msk [tilespmem:v2+s11+$0x0], $0xffff;
	v3 =	vadd.f32 v14, v3;
	v6 =	vadd.f32 v60, v59  }
0x52: {  	v7 =	vadd.f32 v10, v63;
	v1 =	vsub.f32 $0.0e+00, v1  }
0x53: {  	v5 =	vld.idx.msk [tilespmem:v5+s11+$0x0], $0xffff;
	v3 =	vadd.f32 v61, v3  }
0x54: {  	v6 =	vadd.f32 v11, v6;
	v7 =	vadd.f32 v8, v7;
	v1 =	vmul.f32 $1.442695020e+00, v1  }
0x55: {  	v0 =	vadd.f32 v0, v3  }
0x56: {  	v2 =	vadd.f32 v2, v7;
	(erf) = vpow2.f32 v1;
	v1 =	vadd.f32 v62, v6  }
0x57: {  	v0 =	vsub.f32 $0.0e+00, v0  }
0x58: {  	v2 =	vsub.f32 $0.0e+00, v2;
	v1 =	vadd.f32 v5, v1  }
0x59: {  	v0 =	vmul.f32 $1.442695020e+00, v0  }
0x5a: {  	v2 =	vmul.f32 $1.442695020e+00, v2;
	v1 =	vsub.f32 $0.0e+00, v1  }
0x5b: {  	(erf) = vpow2.f32 v0  }
0x5c: {  	(erf) = vpow2.f32 v2;
	v0 =	vmul.f32 $1.442695020e+00, v1;
	_ =	sdelay $0x1  }
0x5d: {  	(erf) = vpow2.f32 v0;
	_ =	sdelay $0x3  }
0x5e: {  	s17 =	simm.s32 $0x100;
	v0 =	vpop (erf)  }
.LBB2_4:
0x5f: {  	p0 =	sne.s32 s17, $0x300;
	v0 =	vadd.f32 $1.000000000e+00, v0;
	s18 =	smov.u32 s17;
	s17 =	sadd.s32 $0x100, s17  }
0x60: {  	v1 =	vpop (erf)  }
0x61: {  	v1 =	vadd.f32 $1.000000000e+00, v1;
	v2 =	vpop (erf);
	(erf) = vrcp.f32 v0  }
0x62: {  	s18 =	sshra.s32 s18, $0x2;
	v0 =	vadd.f32 $1.000000000e+00, v2  }
0x63: {  	v2 =	vld [tilespmem:s18+$0x30];
	v3 =	vpop (erf);
	(erf) = vrcp.f32 v1  }
0x64: {  	v1 =	vld [tilespmem:s18+$0x20];
	v3 =	vadd.f32 $1.000000000e+00, v3;
	(erf) = vrcp.f32 v0  }
0x65: {  	v0 =	vld [tilespmem:s18+$0x10]  }
0x66: {  	v4 =	vld [tilespmem:s18+$0x0];
	(erf) = vrcp.f32 v3;
	_ =	sdelay $0x1  }
0x67: {  	v3 =	vand.u32 $0x1F, v2;
	v5 =	vshrl.u32 v2, $0x5;
	v6 =	vshrl.u32 v2, $0xA  }
0x68: {  	v7 =	vand.u32 $0x1F, v1;
	v8 =	vshrl.u32 v1, $0x5;
	v9 =	vshrl.u32 v1, $0xA  }
0x69: {  	v5 =	vand.u32 $0x1F, v5;
	v8 =	vand.u32 $0x1F, v8;
	v9 =	vand.u32 $0x1F, v9;
	v10 =	vpop (erf)  }
0x6a: {  	v11 =	vand.u32 $0x1F, v0;
	v12 =	vshrl.u32 v0, $0x5;
	v13 =	vshrl.u32 v4, $0xA;
	[tilespmem:s16+$0x15A0] =	vst v10  }
0x6b: {  	v15 =	vshrl.u32 v1, $0xF;
	v10 =	vand.u32 $0x1F, v4;
	v14 =	vshrl.u32 v4, $0x5;
	v16 =	vpop (erf)  }
0x6c: {  	v12 =	vand.u32 $0x1F, v12;
	v14 =	vand.u32 $0x1F, v14;
	v13 =	vand.u32 $0x1F, v13;
	[tilespmem:s16+$0x15B0] =	vst v16;
	v16 =	vpop (erf)  }
0x6d: {  	v6 =	vand.u32 $0x1F, v6;
	v17 =	vshrl.u32 v0, $0xA;
	v15 =	vand.u32 $0x1F, v15;
	[tilespmem:s16+$0x1580] =	vst v16  }
0x6e: {  	v1 =	vshrl.u32 v1, $0x14;
	v16 =	vand.u32 $0x1F, v17;
	v17 =	vshrl.u32 v2, $0xF;
	v18 =	vpop (erf)  }
0x6f: {  	v1 =	vand.u32 $0x1F, v1;
	v19 =	vshrl.u32 v4, $0xF;
	v17 =	vand.u32 $0x1F, v17;
	[tilespmem:s16+$0x1590] =	vst v18;
	s16 =	smov.u32 s18  }
0x70: {  	v4 =	vshrl.u32 v4, $0x14;
	v18 =	vand.u32 $0x1F, v19;
	v19 =	vshrl.u32 v0, $0xF;
	v5 =	vld.idx.msk [tilespmem:v5+s11+$0x0], $0xffff  }
0x71: {  	v4 =	vand.u32 $0x1F, v4;
	v2 =	vshrl.u32 v2, $0x14;
	v19 =	vand.u32 $0x1F, v19;
	v8 =	vld.idx.msk [tilespmem:v8+s11+$0x0], $0xffff  }
0x72: {  	v2 =	vand.u32 $0x1F, v2;
	v0 =	vshrl.u32 v0, $0x14;
	v9 =	vld.idx.msk [tilespmem:v9+s11+$0x0], $0xffff  }
0x73: {  	v0 =	vand.u32 $0x1F, v0;
	v3 =	vld.idx.msk [tilespmem:v3+s11+$0x0], $0xffff  }
0x74: {  	v14 =	vld.idx.msk [tilespmem:v14+s11+$0x0], $0xffff  }
0x75: {  	v7 =	vld.idx.msk [tilespmem:v7+s11+$0x0], $0xffff  }
0x76: {  	v13 =	vld.idx.msk [tilespmem:v13+s11+$0x0], $0xffff  }
0x77: {  	v16 =	vld.idx.msk [tilespmem:v16+s11+$0x0], $0xffff  }
0x78: {  	v10 =	vld.idx.msk [tilespmem:v10+s11+$0x0], $0xffff  }
0x79: {  	v6 =	vld.idx.msk [tilespmem:v6+s11+$0x0], $0xffff  }
0x7a: {  	v17 =	vld.idx.msk [tilespmem:v17+s11+$0x0], $0xffff  }
0x7b: {  	v1 =	vld.idx.msk [tilespmem:v1+s11+$0x0], $0xffff  }
0x7c: {  	v15 =	vld.idx.msk [tilespmem:v15+s11+$0x0], $0xffff  }
0x7d: {  	v11 =	vld.idx.msk [tilespmem:v11+s11+$0x0], $0xffff  }
0x7e: {  	v7 =	vadd.f32 v8, v7;
	v10 =	vadd.f32 v14, v10;
	v12 =	vld.idx.msk [tilespmem:v12+s11+$0x0], $0xffff  }
0x7f: {  	v8 =	vld.idx.msk [tilespmem:v18+s11+$0x0], $0xffff  }
0x80: {  	v3 =	vadd.f32 v5, v3;
	v5 =	vadd.f32 v9, v7;
	v7 =	vld.idx.msk [tilespmem:v19+s11+$0x0], $0xffff  }
0x81: {  	v2 =	vld.idx.msk [tilespmem:v2+s11+$0x0], $0xffff  }
0x82: {  	v3 =	vadd.f32 v6, v3;
	v5 =	vadd.f32 v15, v5;
	v4 =	vld.idx.msk [tilespmem:v4+s11+$0x0], $0xffff;
	_ =	sdelay $0x1  }
0x83: {  	v9 =	vadd.f32 v13, v10;
	v6 =	vadd.f32 v12, v11;
	v0 =	vld.idx.msk [tilespmem:v0+s11+$0x0], $0xffff  }
0x84: {  	v3 =	vadd.f32 v17, v3;
	v1 =	vadd.f32 v1, v5  }
0x85: {  	v5 =	vadd.f32 v16, v6;
	v6 =	vadd.f32 v8, v9  }
0x86: {  	v1 =	vsub.f32 $0.0e+00, v1;
	v2 =	vadd.f32 v2, v3  }
0x87: {  	v3 =	vadd.f32 v7, v5;
	v4 =	vadd.f32 v4, v6  }
0x88: {  	v1 =	vmul.f32 $1.442695020e+00, v1;
	v2 =	vsub.f32 $0.0e+00, v2  }
0x89: {  	v0 =	vadd.f32 v0, v3;
	v3 =	vsub.f32 $0.0e+00, v4  }
0x8a: {  	v2 =	vmul.f32 $1.442695020e+00, v2;
	(erf) = vpow2.f32 v1  }
0x8b: {  	v1 =	vmul.f32 $1.442695020e+00, v3;
	v0 =	vsub.f32 $0.0e+00, v0  }
0x8c: {  	(erf) = vpow2.f32 v2  }
0x8d: {  	v0 =	vmul.f32 $1.442695020e+00, v0;
	(erf) = vpow2.f32 v1;
	_ =	sdelay $0x1  }
.Ltmp1:
0x8e: {  	(erf) = vpow2.f32 v0;
	(pc) =	sbr.rel @p0 .LBB2_4-.Ltmp1, $2  }
0x8f: {  	_ =	sdelay $0x2  }
0x90: {  	v0 =	vpop (erf)  }
0x91: {  	_ =	sdelay $0x1  }
0x92: {  	v0 =	vadd.f32 $1.000000000e+00, v0;
	v1 =	vpop (erf)  }
0x93: {  	v1 =	vadd.f32 $1.000000000e+00, v1;
	v2 =	vpop (erf)  }
0x94: {  	(erf) = vrcp.f32 v0;
	v0 =	vadd.f32 $1.000000000e+00, v2;
	v2 =	vpop (erf)  }
0x95: {  	(erf) = vrcp.f32 v1;
	v1 =	vadd.f32 $1.000000000e+00, v2  }
0x96: {  	(erf) = vrcp.f32 v0  }
0x97: {  	(erf) = vrcp.f32 v1;
	_ =	sdelay $0x5  }
0x98: {  	v0 =	vpop (erf)  }
0x99: {  	[tilespmem:s16+$0x15A0] =	vst v0;
	v0 =	vpop (erf)  }
0x9a: {  	[tilespmem:s16+$0x15B0] =	vst v0;
	v0 =	vpop (erf)  }
0x9b: {  	[tilespmem:s16+$0x1580] =	vst v0;
	v0 =	vpop (erf)  }
0x9c: {  	s31 =	simm.s32 $0x0;
	[tilespmem:s16+$0x1590] =	vst v0;
	s16 =	simm.s32 $0x0  }
0x9d: {  	[hbm4b:s3+s31] =	stream.linear.scatter [tilespmem:s12], [sflag:$0x1], $0x100, $0x38;
	[tilespmem:$0x1780] =	vst v63  }
0x9e: {  	v0 =	vld [tilespmem:s16+$0x130]  }
0x9f: {  	v1 =	vld [tilespmem:s16+$0x120]  }
0xa0: {  	v2 =	vld [tilespmem:s16+$0x100]  }
0xa1: {  	v5 =	vld [tilespmem:s16+$0x110];
	_ =	sdelay $0x1  }
0xa2: {  	v7 =	vand.u32 $0x1F, v0  }
0xa3: {  	v8 =	vand.u32 $0x1F, v1  }
0xa4: {  	v13 =	vand.u32 $0x1F, v2  }
0xa5: {  	v3 =	vshrl.u32 v0, $0x5;
	v15 =	vand.u32 $0x1F, v5  }
0xa6: {  	v4 =	vshrl.u32 v1, $0x5;
	v3 =	vand.u32 $0x1F, v3  }
0xa7: {  	v6 =	vshrl.u32 v1, $0xA;
	v4 =	vand.u32 $0x1F, v4;
	v7 =	vld.idx.msk [tilespmem:v7+s11+$0x0], $0xffff  }
0xa8: {  	v9 =	vshrl.u32 v2, $0x5;
	v6 =	vand.u32 $0x1F, v6;
	v8 =	vld.idx.msk [tilespmem:v8+s11+$0x0], $0xffff  }
0xa9: {  	v10 =	vshrl.u32 v2, $0xA;
	v9 =	vand.u32 $0x1F, v9;
	v13 =	vld.idx.msk [tilespmem:v13+s11+$0x0], $0xffff  }
0xaa: {  	v11 =	vshrl.u32 v5, $0xA;
	v10 =	vand.u32 $0x1F, v10;
	v59 =	vld.idx.msk [tilespmem:v15+s11+$0x0], $0xffff  }
0xab: {  	v12 =	vshrl.u32 v1, $0xF;
	v11 =	vand.u32 $0x1F, v11;
	v3 =	vld.idx.msk [tilespmem:v3+s11+$0x0], $0xffff  }
0xac: {  	v1 =	vshrl.u32 v1, $0x14;
	v12 =	vand.u32 $0x1F, v12;
	v4 =	vld.idx.msk [tilespmem:v4+s11+$0x0], $0xffff  }
0xad: {  	v14 =	vshrl.u32 v0, $0xA;
	v1 =	vand.u32 $0x1F, v1;
	v6 =	vld.idx.msk [tilespmem:v6+s11+$0x0], $0xffff  }
0xae: {  	v16 =	vshrl.u32 v5, $0x5;
	v14 =	vand.u32 $0x1F, v14;
	v9 =	vld.idx.msk [tilespmem:v9+s11+$0x0], $0xffff  }
0xaf: {  	v17 =	vshrl.u32 v0, $0xF;
	v16 =	vand.u32 $0x1F, v16;
	v10 =	vld.idx.msk [tilespmem:v10+s11+$0x0], $0xffff  }
0xb0: {  	v18 =	vshrl.u32 v2, $0xF;
	v58 =	vshrl.u32 v5, $0xF;
	v17 =	vand.u32 $0x1F, v17;
	v11 =	vld.idx.msk [tilespmem:v11+s11+$0x0], $0xffff  }
0xb1: {  	v57 =	vand.u32 $0x1F, v18;
	v18 =	vand.u32 $0x1F, v58;
	v12 =	vld.idx.msk [tilespmem:v12+s11+$0x0], $0xffff  }
0xb2: {  	v0 =	vshrl.u32 v0, $0x14;
	v1 =	vld.idx.msk [tilespmem:v1+s11+$0x0], $0xffff;
	v4 =	vadd.f32 v4, v8  }
0xb3: {  	v2 =	vshrl.u32 v2, $0x14;
	v0 =	vand.u32 $0x1F, v0;
	v14 =	vld.idx.msk [tilespmem:v14+s11+$0x0], $0xffff  }
0xb4: {  	v2 =	vand.u32 $0x1F, v2;
	v60 =	vld.idx.msk [tilespmem:v16+s11+$0x0], $0xffff;
	v4 =	vadd.f32 v6, v4  }
0xb5: {  	v5 =	vshrl.u32 v5, $0x14;
	v61 =	vld.idx.msk [tilespmem:v17+s11+$0x0], $0xffff  }
0xb6: {  	v5 =	vand.u32 $0x1F, v5;
	v62 =	vld.idx.msk [tilespmem:v18+s11+$0x0], $0xffff;
	v4 =	vadd.f32 v12, v4  }
0xb7: {  	v8 =	vld.idx.msk [tilespmem:v57+s11+$0x0], $0xffff;
	v3 =	vadd.f32 v3, v7  }
0xb8: {  	v0 =	vld.idx.msk [tilespmem:v0+s11+$0x0], $0xffff;
	v63 =	vadd.f32 v9, v13;
	v1 =	vadd.f32 v1, v4  }
0xb9: {  	v2 =	vld.idx.msk [tilespmem:v2+s11+$0x0], $0xffff;
	v3 =	vadd.f32 v14, v3;
	v6 =	vadd.f32 v60, v59  }
0xba: {  	v7 =	vadd.f32 v10, v63;
	v1 =	vsub.f32 $0.0e+00, v1  }
0xbb: {  	v5 =	vld.idx.msk [tilespmem:v5+s11+$0x0], $0xffff;
	v3 =	vadd.f32 v61, v3  }
0xbc: {  	v6 =	vadd.f32 v11, v6;
	v7 =	vadd.f32 v8, v7;
	v1 =	vmul.f32 $1.442695020e+00, v1  }
0xbd: {  	v0 =	vadd.f32 v0, v3  }
0xbe: {  	v2 =	vadd.f32 v2, v7;
	(erf) = vpow2.f32 v1;
	v1 =	vadd.f32 v62, v6  }
0xbf: {  	v0 =	vsub.f32 $0.0e+00, v0  }
0xc0: {  	v2 =	vsub.f32 $0.0e+00, v2;
	v1 =	vadd.f32 v5, v1  }
0xc1: {  	v0 =	vmul.f32 $1.442695020e+00, v0  }
0xc2: {  	v2 =	vmul.f32 $1.442695020e+00, v2;
	v1 =	vsub.f32 $0.0e+00, v1  }
0xc3: {  	(erf) = vpow2.f32 v0  }
0xc4: {  	(erf) = vpow2.f32 v2;
	v0 =	vmul.f32 $1.442695020e+00, v1;
	_ =	sdelay $0x1  }
0xc5: {  	(erf) = vpow2.f32 v0;
	_ =	sdelay $0x3  }
0xc6: {  	s17 =	simm.s32 $0x100;
	v0 =	vpop (erf)  }
.LBB2_6:
0xc7: {  	p0 =	sne.s32 s17, $0x300;
	v0 =	vadd.f32 $1.000000000e+00, v0;
	s18 =	smov.u32 s17;
	s17 =	sadd.s32 $0x100, s17  }
0xc8: {  	v1 =	vpop (erf)  }
0xc9: {  	v1 =	vadd.f32 $1.000000000e+00, v1;
	v2 =	vpop (erf);
	(erf) = vrcp.f32 v0  }
0xca: {  	s18 =	sshra.s32 s18, $0x2;
	v0 =	vadd.f32 $1.000000000e+00, v2  }
0xcb: {  	v2 =	vld [tilespmem:s18+$0x130];
	v3 =	vpop (erf);
	(erf) = vrcp.f32 v1  }
0xcc: {  	v1 =	vld [tilespmem:s18+$0x120];
	v3 =	vadd.f32 $1.000000000e+00, v3;
	(erf) = vrcp.f32 v0  }
0xcd: {  	v0 =	vld [tilespmem:s18+$0x110]  }
0xce: {  	v4 =	vld [tilespmem:s18+$0x100];
	(erf) = vrcp.f32 v3;
	_ =	sdelay $0x1  }
0xcf: {  	v3 =	vand.u32 $0x1F, v2;
	v5 =	vshrl.u32 v2, $0x5;
	v6 =	vshrl.u32 v2, $0xA  }
0xd0: {  	v7 =	vand.u32 $0x1F, v1;
	v8 =	vshrl.u32 v1, $0x5;
	v9 =	vshrl.u32 v1, $0xA  }
0xd1: {  	v5 =	vand.u32 $0x1F, v5;
	v8 =	vand.u32 $0x1F, v8;
	v9 =	vand.u32 $0x1F, v9;
	v10 =	vpop (erf)  }
0xd2: {  	v11 =	vand.u32 $0x1F, v0;
	v12 =	vshrl.u32 v0, $0x5;
	v13 =	vshrl.u32 v4, $0xA;
	[tilespmem:s16+$0x16A0] =	vst v10  }
0xd3: {  	v15 =	vshrl.u32 v1, $0xF;
	v10 =	vand.u32 $0x1F, v4;
	v14 =	vshrl.u32 v4, $0x5;
	v16 =	vpop (erf)  }
0xd4: {  	v12 =	vand.u32 $0x1F, v12;
	v14 =	vand.u32 $0x1F, v14;
	v13 =	vand.u32 $0x1F, v13;
	[tilespmem:s16+$0x16B0] =	vst v16;
	v16 =	vpop (erf)  }
0xd5: {  	v6 =	vand.u32 $0x1F, v6;
	v17 =	vshrl.u32 v0, $0xA;
	v15 =	vand.u32 $0x1F, v15;
	[tilespmem:s16+$0x1680] =	vst v16  }
0xd6: {  	v1 =	vshrl.u32 v1, $0x14;
	v16 =	vand.u32 $0x1F, v17;
	v17 =	vshrl.u32 v2, $0xF;
	v18 =	vpop (erf)  }
0xd7: {  	v1 =	vand.u32 $0x1F, v1;
	v19 =	vshrl.u32 v4, $0xF;
	v17 =	vand.u32 $0x1F, v17;
	[tilespmem:s16+$0x1690] =	vst v18;
	s16 =	smov.u32 s18  }
0xd8: {  	v4 =	vshrl.u32 v4, $0x14;
	v18 =	vand.u32 $0x1F, v19;
	v19 =	vshrl.u32 v0, $0xF;
	v5 =	vld.idx.msk [tilespmem:v5+s11+$0x0], $0xffff  }
0xd9: {  	v4 =	vand.u32 $0x1F, v4;
	v2 =	vshrl.u32 v2, $0x14;
	v19 =	vand.u32 $0x1F, v19;
	v8 =	vld.idx.msk [tilespmem:v8+s11+$0x0], $0xffff  }
0xda: {  	v2 =	vand.u32 $0x1F, v2;
	v0 =	vshrl.u32 v0, $0x14;
	v9 =	vld.idx.msk [tilespmem:v9+s11+$0x0], $0xffff  }
0xdb: {  	v0 =	vand.u32 $0x1F, v0;
	v3 =	vld.idx.msk [tilespmem:v3+s11+$0x0], $0xffff  }
0xdc: {  	v14 =	vld.idx.msk [tilespmem:v14+s11+$0x0], $0xffff  }
0xdd: {  	v7 =	vld.idx.msk [tilespmem:v7+s11+$0x0], $0xffff  }
0xde: {  	v13 =	vld.idx.msk [tilespmem:v13+s11+$0x0], $0xffff  }
0xdf: {  	v16 =	vld.idx.msk [tilespmem:v16+s11+$0x0], $0xffff  }
0xe0: {  	v10 =	vld.idx.msk [tilespmem:v10+s11+$0x0], $0xffff  }
0xe1: {  	v6 =	vld.idx.msk [tilespmem:v6+s11+$0x0], $0xffff  }
0xe2: {  	v17 =	vld.idx.msk [tilespmem:v17+s11+$0x0], $0xffff  }
0xe3: {  	v1 =	vld.idx.msk [tilespmem:v1+s11+$0x0], $0xffff  }
0xe4: {  	v15 =	vld.idx.msk [tilespmem:v15+s11+$0x0], $0xffff  }
0xe5: {  	v11 =	vld.idx.msk [tilespmem:v11+s11+$0x0], $0xffff  }
0xe6: {  	v7 =	vadd.f32 v8, v7;
	v10 =	vadd.f32 v14, v10;
	v12 =	vld.idx.msk [tilespmem:v12+s11+$0x0], $0xffff  }
0xe7: {  	v8 =	vld.idx.msk [tilespmem:v18+s11+$0x0], $0xffff  }
0xe8: {  	v3 =	vadd.f32 v5, v3;
	v5 =	vadd.f32 v9, v7;
	v7 =	vld.idx.msk [tilespmem:v19+s11+$0x0], $0xffff  }
0xe9: {  	v2 =	vld.idx.msk [tilespmem:v2+s11+$0x0], $0xffff  }
0xea: {  	v3 =	vadd.f32 v6, v3;
	v5 =	vadd.f32 v15, v5;
	v4 =	vld.idx.msk [tilespmem:v4+s11+$0x0], $0xffff;
	_ =	sdelay $0x1  }
0xeb: {  	v9 =	vadd.f32 v13, v10;
	v6 =	vadd.f32 v12, v11;
	v0 =	vld.idx.msk [tilespmem:v0+s11+$0x0], $0xffff  }
0xec: {  	v3 =	vadd.f32 v17, v3;
	v1 =	vadd.f32 v1, v5  }
0xed: {  	v5 =	vadd.f32 v16, v6;
	v6 =	vadd.f32 v8, v9  }
0xee: {  	v1 =	vsub.f32 $0.0e+00, v1;
	v2 =	vadd.f32 v2, v3  }
0xef: {  	v3 =	vadd.f32 v7, v5;
	v4 =	vadd.f32 v4, v6  }
0xf0: {  	v1 =	vmul.f32 $1.442695020e+00, v1;
	v2 =	vsub.f32 $0.0e+00, v2  }
0xf1: {  	v0 =	vadd.f32 v0, v3;
	v3 =	vsub.f32 $0.0e+00, v4  }
0xf2: {  	v2 =	vmul.f32 $1.442695020e+00, v2;
	(erf) = vpow2.f32 v1  }
0xf3: {  	v1 =	vmul.f32 $1.442695020e+00, v3;
	v0 =	vsub.f32 $0.0e+00, v0  }
0xf4: {  	(erf) = vpow2.f32 v2  }
0xf5: {  	v0 =	vmul.f32 $1.442695020e+00, v0;
	(erf) = vpow2.f32 v1;
	_ =	sdelay $0x1  }
.Ltmp2:
0xf6: {  	(erf) = vpow2.f32 v0;
	(pc) =	sbr.rel @p0 .LBB2_6-.Ltmp2, $2  }
0xf7: {  	_ =	sdelay $0x2  }
0xf8: {  	v0 =	vpop (erf)  }
0xf9: {  	_ =	sdelay $0x1  }
0xfa: {  	v0 =	vadd.f32 $1.000000000e+00, v0;
	v1 =	vpop (erf)  }
0xfb: {  	v1 =	vadd.f32 $1.000000000e+00, v1;
	v2 =	vpop (erf)  }
0xfc: {  	(erf) = vrcp.f32 v0;
	v57 =	vadd.f32 $1.000000000e+00, v2;
	v58 =	vpop (erf)  }
0xfd: {  	(erf) = vrcp.f32 v1;
	v59 =	vadd.f32 $1.000000000e+00, v58  }
0xfe: {  	(erf) = vrcp.f32 v57  }
0xff: {  	(erf) = vrcp.f32 v59;
	_ =	sdelay $0x5  }
0x100: {  	v60 =	vpop (erf)  }
0x101: {  	[tilespmem:s16+$0x16A0] =	vst v60;
	v61 =	vpop (erf)  }
0x102: {  	[tilespmem:s16+$0x16B0] =	vst v61;
	v62 =	vpop (erf)  }
0x103: {  	[tilespmem:s16+$0x1680] =	vst v62;
	v63 =	vpop (erf)  }
0x104: {  	s15 =	sadd.s32 $0x1, s15;
	[tilespmem:s16+$0x1690] =	vst v63  }
0x105: {  	[hbm4b:s6+s2] =	stream.linear.scatter [tilespmem:s13], [sflag:$0x3], $0x100, $0x38;
	[tilespmem:$0x1780] =	vst v63  }
0x106: {  	p0 =	sne.s32 s15, s7;
	_ =	swait.ge [sflag:s14], $0x100  }
.Ltmp3:
0x107: {  	[sflag:s14] =	ssyncset.done $0x0;
	(pc) =	sbr.rel @p0 .LBB2_1-.Ltmp3, $4  }
0x108: {  	[sflag:s14] =	ssyncadd.s32 $0xFFFFFF00  }
0x109: {  	_ =	swait.ge [sflag:s10], $0x100  }
0x10a: {  	[sflag:s10] =	ssyncset.done $0x0  }
0x10b: {  	[sflag:s10] =	ssyncadd.s32 $0xFFFFFF00  }
0x10c: {  	_ =	sfence.sel $0x180000  }
0x10d: {  	[bflag:$0x0] =	sbarrier.arrive $0xFFFF  }
0x10e: {  	p0 =	sne.s32 s1, $0x0;
	_ =	strace $0x90000047  }
0x10f: {  	s0 =	sadd.s32 @!p0 $0x100000, s0;
	[bflag:$0x2] =	sbarrier.arrive $0xFFFF  }
0x110: {  	[sflag:s0] =	ssyncadd.tile.s32 @!p0 $0x1;
	_ =	shalt  }
.Lfunc_end2:
_tile_overlayer_lowered:
.L_overlay_start_2:
0x111: {  	(tag) =	ssettag $0x2  }
0x112: {  	s0 =	rddreg [dreg:$0x0];
	s2 =	stileid.u32  }
0x113: {  	s1 =	rddreg [dreg:$0x1];
	p0 =	sne.s32 s2, $0x0  }
0x114: {  	s3 =	rddreg [dreg:$0x2];
	[bflag:$0x3] =	sbarrier.arrive $0xFFFF;
	s2 =	simm.s32 @!p0 $0x1C03  }
0x115: {  	[timem:s3], [sflag:s2] =	dma.local @!p0 [hbm:s0], s1  }
0x116: {  	s0 =	simm.s32 @!p0 $0x3  }
0x117: {  	_ =	swait.ge @!p0 [sflag:s0], s1  }
0x118: {  	s1 =	ssub.s32 @!p0 $0x0, s1;
	[sflag:s0] =	ssyncset.done @!p0 $0x0  }
0x119: {  	[sflag:s0] =	ssyncadd.s32 @!p0 s1  }
0x11a: {  	[bflag:$0x3] =	sbarrier.arrive $0xFFFF  }
0x11b: {  	_ =	shalt  }

</sc_bundles>
